<compile_context>
chip_gen: v7x
topology: tpu7x:2x2x1
jax: 0.10.2.dev20260603
libtpu: 0.0.44.dev20260713+nightly
codegen_flags: <defaults>
</compile_context>

<pallas_src>
import functools

import jax
import jax.numpy as jnp
from jax import lax
from jax.experimental import pallas as pl
from jax.experimental.pallas import tpu as pltpu
from jax.experimental.pallas import tpu_sc as plsc

STATE_DIM = 64
TOTAL = 4 * 2048 * 2048
NC, NS = 2, 16
NW = NC * NS
REGION = TOTAL // NW
SLICE = 16384
NSLICES = REGION // SLICE
CHUNKS = SLICE // STATE_DIM
UNROLL = 4

_mesh = plsc.VectorSubcoreMesh(core_axis_name="c", subcore_axis_name="s")


@functools.partial(
    pl.kernel,
    mesh=_mesh,
    out_type=jax.ShapeDtypeStruct((TOTAL,), jnp.float32),
    compiler_params=pltpu.CompilerParams(needs_layout_passes=False),
    scratch_types=[
        pltpu.VMEM((SLICE,), jnp.float32),
        pltpu.VMEM((SLICE,), jnp.float32),
        pltpu.VMEM((SLICE,), jnp.float32),
        pltpu.VMEM((SLICE,), jnp.float32),
        pltpu.VMEM((STATE_DIM,), jnp.int32),
        pltpu.SemaphoreType.DMA,
        pltpu.SemaphoreType.DMA,
        pltpu.SemaphoreType.DMA,
        pltpu.SemaphoreType.DMA,
    ],
)
def _permute_sc(x_hbm, idx_hbm, o_hbm, in0, in1, out0, out1, perm_v,
                si0, si1, so0, so1):
    wid = lax.axis_index("s") * NC + lax.axis_index("c")
    base = wid * REGION

    pltpu.sync_copy(idx_hbm, perm_v)
    pq = [perm_v[pl.ds(q * 16, 16)] for q in range(4)]

    inb = [in0, in1]
    outb = [out0, out1]
    sin = [si0, si1]
    sout = [so0, so1]

    pltpu.async_copy(x_hbm.at[pl.ds(base, SLICE)], in0, si0)
    pltpu.async_copy(x_hbm.at[pl.ds(base + SLICE, SLICE)], in1, si1)

    def outer(i2, carry):
        for b in range(2):
            i = i2 * 2 + b
            off = base + i * SLICE
            pltpu.make_async_copy(
                x_hbm.at[pl.ds(off, SLICE)], inb[b], sin[b]).wait()

            @pl.when(i2 > 0)
            def _wait_out():
                pltpu.make_async_copy(
                    outb[b], o_hbm.at[pl.ds(off, SLICE)], sout[b]).wait()

            def chunk(g, c2):
                for u in range(UNROLL):
                    cb = (g * UNROLL + u) * STATE_DIM
                    for q in range(4):
                        vals = plsc.load_gather(inb[b], [pq[q] + cb])
                        outb[b][pl.ds(cb + q * 16, 16)] = vals
                return c2

            lax.fori_loop(0, CHUNKS // UNROLL, chunk, 0)

            pltpu.async_copy(outb[b], o_hbm.at[pl.ds(off, SLICE)], sout[b])

            @pl.when(i2 < NSLICES // 2 - 1)
            def _prefetch():
                pltpu.async_copy(
                    x_hbm.at[pl.ds(off + 2 * SLICE, SLICE)], inb[b], sin[b])
        return carry

    lax.fori_loop(0, NSLICES // 2, outer, 0)

    for b in range(2):
        off = base + (NSLICES - 2 + b) * SLICE
        pltpu.make_async_copy(
            outb[b], o_hbm.at[pl.ds(off, SLICE)], sout[b]).wait()


def kernel(x, index_1):
    out_flat = _permute_sc(x.reshape(-1), index_1)
    return out_flat.reshape(x.shape)

# --- scband reference (transcript-rebuilt; emitter-appended) ---
"""Pipeline reference for scband-permutation-layer-63608465654469 (READ-ONLY COPY).

The authoritative reference and input builder live on the scoring server;
editing this copy changes nothing except your own understanding.
"""

import jax, jax.numpy as jnp
import numpy as np

STATE_DIM = 64
REVERSE = False


def setup_inputs(seed: int = 0) -> dict:
    key = jax.random.key(seed)
    k1, k2 = jax.random.split(key)
    x = jax.random.normal(k1, (4, 2048, 2048), dtype=jnp.float32)
    # fixed random permutation created at module init (buffer, not learned)
    index_1 = jax.random.permutation(k2, jnp.arange(STATE_DIM, dtype=jnp.int32))
    return {"x": x, "index_1": index_1}


def reference(x, index_1):
    B, S, L = x.shape
    x_reshape = x.reshape(B, S, -1, STATE_DIM)
    if REVERSE:
        x_perm = jnp.flip(x_reshape, axis=-2)[:, :, :, index_1]
    else:
        x_perm = x_reshape[:, :, :, index_1]
    return x_perm.reshape(B, S, L)

if __name__ == "__main__":
    import jax
    _d = setup_inputs()
    print(jax.jit(kernel)(*tuple(_d.values())))

</pallas_src>

<mosaic_0001>
#map = affine_map<(d0, d1) -> (0)>
module attributes {stable_mosaic.version = 14 : i64} {
  func.func @_permute_sc(%arg0: i32, %arg1: i32, %arg2: memref<16777216xf32, #tpu.memory_space<hbm>>, %arg3: memref<64xi32, #tpu.memory_space<hbm>>, %arg4: memref<16777216xf32, #tpu.memory_space<hbm>>, %arg5: memref<16384xf32, #tpu.memory_space<vmem>>, %arg6: memref<16384xf32, #tpu.memory_space<vmem>>, %arg7: memref<16384xf32, #tpu.memory_space<vmem>>, %arg8: memref<16384xf32, #tpu.memory_space<vmem>>, %arg9: memref<64xi32, #tpu.memory_space<vmem>>, %arg10: memref<!tpu.dma_semaphore, #tpu.memory_space<semaphore_mem>>, %arg11: memref<!tpu.dma_semaphore, #tpu.memory_space<semaphore_mem>>, %arg12: memref<!tpu.dma_semaphore, #tpu.memory_space<semaphore_mem>>, %arg13: memref<!tpu.dma_semaphore, #tpu.memory_space<semaphore_mem>>) attributes {dimension_semantics = [#tpu.dimension_semantics<core_parallel>, #tpu.dimension_semantics<subcore_parallel>], iteration_bounds = array<i64: 2, 16>, scalar_prefetch = 0 : i64, scratch_operands = 9 : i64, tpu.core_type = #tpu.core_type<sc_vector_subcore>, window_params = [{transform_indices = #map}, {transform_indices = #map}, {transform_indices = #map}]} {
    %mul3A = arith.constant 2 : i32
    %mul3A_0 = arith.muli %arg1, %mul3A : i32
    %add3A = arith.addi %mul3A_0, %arg0 : i32
    %mul3A_1 = arith.constant 524288 : i32
    %mul3A_2 = arith.muli %add3A, %mul3A_1 : i32
    "tpu.region"() ({
      %run_scoped3A = tpu.sem_alloc : memref<!tpu.dma_semaphore, #tpu.memory_space<semaphore_mem>>
      tpu.enqueue_dma source(%arg3 : memref<64xi32, #tpu.memory_space<hbm>>) target(%arg9 : memref<64xi32, #tpu.memory_space<vmem>>) target_semaphore(%run_scoped3A : memref<!tpu.dma_semaphore, #tpu.memory_space<semaphore_mem>>)
      tpu.wait_dma2 semaphore(%run_scoped3A : memref<!tpu.dma_semaphore, #tpu.memory_space<semaphore_mem>>) src(%arg3 : memref<64xi32, #tpu.memory_space<hbm>>) dst(%arg9 : memref<64xi32, #tpu.memory_space<vmem>>)
      tpu.yield
    }) : () -> ()
    %get3A = arith.constant 0 : index
    %get3A_3 = tpu.vector_load %arg9[%get3A] {strides = array<i32>} : memref<64xi32, #tpu.memory_space<vmem>>, vector<16xi32>,
    %get3A_4 = arith.constant 16 : index
    %get3A_5 = tpu.vector_load %arg9[%get3A_4] {strides = array<i32>} : memref<64xi32, #tpu.memory_space<vmem>>, vector<16xi32>,
    %get3A_6 = arith.constant 32 : index
    %get3A_7 = tpu.vector_load %arg9[%get3A_6] {strides = array<i32>} : memref<64xi32, #tpu.memory_space<vmem>>, vector<16xi32>,
    %get3A_8 = arith.constant 48 : index
    %get3A_9 = tpu.vector_load %arg9[%get3A_8] {strides = array<i32>} : memref<64xi32, #tpu.memory_space<vmem>>, vector<16xi32>,
    %dma_start3A = tpu.memref_slice %arg2[%mul3A_2] : memref<16777216xf32, #tpu.memory_space<hbm>> -> memref<16384xf32, #tpu.memory_space<hbm>>
    %dma_start3A_10 = tpu.memref_slice %arg2[%mul3A_2] : memref<16777216xf32, #tpu.memory_space<hbm>> -> memref<16384xf32, #tpu.memory_space<hbm>>
    tpu.enqueue_dma source(%dma_start3A_10 : memref<16384xf32, #tpu.memory_space<hbm>>) target(%arg5 : memref<16384xf32, #tpu.memory_space<vmem>>) target_semaphore(%arg10 : memref<!tpu.dma_semaphore, #tpu.memory_space<semaphore_mem>>)
    %add3A_11 = arith.constant 16384 : i32
    %add3A_12 = arith.addi %mul3A_2, %add3A_11 : i32
    %dma_start3A_13 = tpu.memref_slice %arg2[%add3A_12] : memref<16777216xf32, #tpu.memory_space<hbm>> -> memref<16384xf32, #tpu.memory_space<hbm>>
    %dma_start3A_14 = tpu.memref_slice %arg2[%add3A_12] : memref<16777216xf32, #tpu.memory_space<hbm>> -> memref<16384xf32, #tpu.memory_space<hbm>>
    tpu.enqueue_dma source(%dma_start3A_14 : memref<16384xf32, #tpu.memory_space<hbm>>) target(%arg6 : memref<16384xf32, #tpu.memory_space<vmem>>) target_semaphore(%arg11 : memref<!tpu.dma_semaphore, #tpu.memory_space<semaphore_mem>>)
    %scan3A = arith.constant 0 : i32
    %scan3A_15 = arith.constant 0 : i32
    %scan3A_16 = arith.constant 16 : i32
    %scan3A_17 = arith.addi %scan3A_15, %scan3A_16 : i32
    %scan3A_18 = arith.constant 1 : i32
    scf.for %scan3A_27 = %scan3A_15 to %scan3A_17 step %scan3A_18  : i32 {
      %mul3A_28 = arith.constant 2 : i32
      %mul3A_29 = arith.muli %scan3A_27, %mul3A_28 : i32
      %add3A_30 = arith.constant 0 : i32
      %add3A_31 = arith.addi %mul3A_29, %add3A_30 : i32
      %mul3A_32 = arith.constant 16384 : i32
      %mul3A_33 = arith.muli %add3A_31, %mul3A_32 : i32
      %add3A_34 = arith.addi %mul3A_2, %mul3A_33 : i32
      %dma_wait3A_35 = tpu.memref_slice %arg2[%add3A_34] : memref<16777216xf32, #tpu.memory_space<hbm>> -> memref<16384xf32, #tpu.memory_space<hbm>>
      %dma_wait3A_36 = tpu.memref_slice %arg2[%add3A_34] : memref<16777216xf32, #tpu.memory_space<hbm>> -> memref<16384xf32, #tpu.memory_space<hbm>>
      tpu.wait_dma2 semaphore(%arg10 : memref<!tpu.dma_semaphore, #tpu.memory_space<semaphore_mem>>) src(%dma_wait3A_36 : memref<16384xf32, #tpu.memory_space<hbm>>) dst(%arg5 : memref<16384xf32, #tpu.memory_space<vmem>>)
      %gt3A = arith.constant 0 : i32
      %gt3A_37 = arith.cmpi sgt, %scan3A_27, %gt3A : i32
      %convert_element_type3A = arith.extui %gt3A_37 : i1 to i32
      %cond3A = arith.constant 0 : i32
      %cond3A_38 = arith.cmpi ne, %convert_element_type3A, %cond3A : i32
      scf.if %cond3A_38 {
        %dma_wait3A_78 = tpu.memref_slice %arg4[%add3A_34] : memref<16777216xf32, #tpu.memory_space<hbm>> -> memref<16384xf32, #tpu.memory_space<hbm>>
        %dma_wait3A_79 = tpu.memref_slice %arg4[%add3A_34] : memref<16777216xf32, #tpu.memory_space<hbm>> -> memref<16384xf32, #tpu.memory_space<hbm>>
        tpu.wait_dma2 semaphore(%arg12 : memref<!tpu.dma_semaphore, #tpu.memory_space<semaphore_mem>>) src(%arg7 : memref<16384xf32, #tpu.memory_space<vmem>>) dst(%dma_wait3A_79 : memref<16384xf32, #tpu.memory_space<hbm>>)
      } else {
      }
      %scan3A_39 = arith.constant 0 : i32
      %scan3A_40 = arith.constant 0 : i32
      %scan3A_41 = arith.constant 64 : i32
      %scan3A_42 = arith.addi %scan3A_40, %scan3A_41 : i32
      %scan3A_43 = arith.constant 1 : i32
      scf.for %scan3A_78 = %scan3A_40 to %scan3A_42 step %scan3A_43  : i32 {
        %mul3A_79 = arith.constant 4 : i32
        %mul3A_80 = arith.muli %scan3A_78, %mul3A_79 : i32
        %add3A_81 = arith.constant 0 : i32
        %add3A_82 = arith.addi %mul3A_80, %add3A_81 : i32
        %mul3A_83 = arith.constant 64 : i32
        %mul3A_84 = arith.muli %add3A_82, %mul3A_83 : i32
        %add3A_85 = vector.broadcast %mul3A_84 : i32 to vector<16xi32>
        %add3A_86 = arith.addi %get3A_3, %add3A_85 : vector<16xi32>
        %gather3A = tpu.vector_load_idx %arg5[%add3A_86] : memref<16384xf32, #tpu.memory_space<vmem>>[vector<16xi32>], vector<16xf32>,
        %add3A_87 = arith.constant 0 : i32
        %add3A_88 = arith.addi %mul3A_84, %add3A_87 : i32
        %swap3A = arith.index_cast %add3A_88 : i32 to index
        %swap3A_89 = tpu.vector_load %arg7[%swap3A] {strides = array<i32>} : memref<16384xf32, #tpu.memory_space<vmem>>, vector<16xf32>,
        tpu.vector_store %arg7[%swap3A], %gather3A {strides = array<i32>} : memref<16384xf32, #tpu.memory_space<vmem>>, vector<16xf32>,
        %add3A_90 = vector.broadcast %mul3A_84 : i32 to vector<16xi32>
        %add3A_91 = arith.addi %get3A_5, %add3A_90 : vector<16xi32>
        %gather3A_92 = tpu.vector_load_idx %arg5[%add3A_91] : memref<16384xf32, #tpu.memory_space<vmem>>[vector<16xi32>], vector<16xf32>,
        %add3A_93 = arith.constant 16 : i32
        %add3A_94 = arith.addi %mul3A_84, %add3A_93 : i32
        %swap3A_95 = arith.index_cast %add3A_94 : i32 to index
        %swap3A_96 = tpu.vector_load %arg7[%swap3A_95] {strides = array<i32>} : memref<16384xf32, #tpu.memory_space<vmem>>, vector<16xf32>,
        tpu.vector_store %arg7[%swap3A_95], %gather3A_92 {strides = array<i32>} : memref<16384xf32, #tpu.memory_space<vmem>>, vector<16xf32>,
        %add3A_97 = vector.broadcast %mul3A_84 : i32 to vector<16xi32>
        %add3A_98 = arith.addi %get3A_7, %add3A_97 : vector<16xi32>
        %gather3A_99 = tpu.vector_load_idx %arg5[%add3A_98] : memref<16384xf32, #tpu.memory_space<vmem>>[vector<16xi32>], vector<16xf32>,
        %add3A_100 = arith.constant 32 : i32
        %add3A_101 = arith.addi %mul3A_84, %add3A_100 : i32
        %swap3A_102 = arith.index_cast %add3A_101 : i32 to index
        %swap3A_103 = tpu.vector_load %arg7[%swap3A_102] {strides = array<i32>} : memref<16384xf32, #tpu.memory_space<vmem>>, vector<16xf32>,
        tpu.vector_store %arg7[%swap3A_102], %gather3A_99 {strides = array<i32>} : memref<16384xf32, #tpu.memory_space<vmem>>, vector<16xf32>,
        %add3A_104 = vector.broadcast %mul3A_84 : i32 to vector<16xi32>
        %add3A_105 = arith.addi %get3A_9, %add3A_104 : vector<16xi32>
        %gather3A_106 = tpu.vector_load_idx %arg5[%add3A_105] : memref<16384xf32, #tpu.memory_space<vmem>>[vector<16xi32>], vector<16xf32>,
        %add3A_107 = arith.constant 48 : i32
        %add3A_108 = arith.addi %mul3A_84, %add3A_107 : i32
        %swap3A_109 = arith.index_cast %add3A_108 : i32 to index
        %swap3A_110 = tpu.vector_load %arg7[%swap3A_109] {strides = array<i32>} : memref<16384xf32, #tpu.memory_space<vmem>>, vector<16xf32>,
        tpu.vector_store %arg7[%swap3A_109], %gather3A_106 {strides = array<i32>} : memref<16384xf32, #tpu.memory_space<vmem>>, vector<16xf32>,
        %mul3A_111 = arith.constant 4 : i32
        %mul3A_112 = arith.muli %scan3A_78, %mul3A_111 : i32
        %add3A_113 = arith.constant 1 : i32
        %add3A_114 = arith.addi %mul3A_112, %add3A_113 : i32
        %mul3A_115 = arith.constant 64 : i32
        %mul3A_116 = arith.muli %add3A_114, %mul3A_115 : i32
        %add3A_117 = vector.broadcast %mul3A_116 : i32 to vector<16xi32>
        %add3A_118 = arith.addi %get3A_3, %add3A_117 : vector<16xi32>
        %gather3A_119 = tpu.vector_load_idx %arg5[%add3A_118] : memref<16384xf32, #tpu.memory_space<vmem>>[vector<16xi32>], vector<16xf32>,
        %add3A_120 = arith.constant 0 : i32
        %add3A_121 = arith.addi %mul3A_116, %add3A_120 : i32
        %swap3A_122 = arith.index_cast %add3A_121 : i32 to index
        %swap3A_123 = tpu.vector_load %arg7[%swap3A_122] {strides = array<i32>} : memref<16384xf32, #tpu.memory_space<vmem>>, vector<16xf32>,
        tpu.vector_store %arg7[%swap3A_122], %gather3A_119 {strides = array<i32>} : memref<16384xf32, #tpu.memory_space<vmem>>, vector<16xf32>,
        %add3A_124 = vector.broadcast %mul3A_116 : i32 to vector<16xi32>
        %add3A_125 = arith.addi %get3A_5, %add3A_124 : vector<16xi32>
        %gather3A_126 = tpu.vector_load_idx %arg5[%add3A_125] : memref<16384xf32, #tpu.memory_space<vmem>>[vector<16xi32>], vector<16xf32>,
        %add3A_127 = arith.constant 16 : i32
        %add3A_128 = arith.addi %mul3A_116, %add3A_127 : i32
        %swap3A_129 = arith.index_cast %add3A_128 : i32 to index
        %swap3A_130 = tpu.vector_load %arg7[%swap3A_129] {strides = array<i32>} : memref<16384xf32, #tpu.memory_space<vmem>>, vector<16xf32>,
        tpu.vector_store %arg7[%swap3A_129], %gather3A_126 {strides = array<i32>} : memref<16384xf32, #tpu.memory_space<vmem>>, vector<16xf32>,
        %add3A_131 = vector.broadcast %mul3A_116 : i32 to vector<16xi32>
        %add3A_132 = arith.addi %get3A_7, %add3A_131 : vector<16xi32>
        %gather3A_133 = tpu.vector_load_idx %arg5[%add3A_132] : memref<16384xf32, #tpu.memory_space<vmem>>[vector<16xi32>], vector<16xf32>,
        %add3A_134 = arith.constant 32 : i32
        %add3A_135 = arith.addi %mul3A_116, %add3A_134 : i32
        %swap3A_136 = arith.index_cast %add3A_135 : i32 to index
        %swap3A_137 = tpu.vector_load %arg7[%swap3A_136] {strides = array<i32>} : memref<16384xf32, #tpu.memory_space<vmem>>, vector<16xf32>,
        tpu.vector_store %arg7[%swap3A_136], %gather3A_133 {strides = array<i32>} : memref<16384xf32, #tpu.memory_space<vmem>>, vector<16xf32>,
        %add3A_138 = vector.broadcast %mul3A_116 : i32 to vector<16xi32>
        %add3A_139 = arith.addi %get3A_9, %add3A_138 : vector<16xi32>
        %gather3A_140 = tpu.vector_load_idx %arg5[%add3A_139] : memref<16384xf32, #tpu.memory_space<vmem>>[vector<16xi32>], vector<16xf32>,
        %add3A_141 = arith.constant 48 : i32
        %add3A_142 = arith.addi %mul3A_116, %add3A_141 : i32
        %swap3A_143 = arith.index_cast %add3A_142 : i32 to index
        %swap3A_144 = tpu.vector_load %arg7[%swap3A_143] {strides = array<i32>} : memref<16384xf32, #tpu.memory_space<vmem>>, vector<16xf32>,
        tpu.vector_store %arg7[%swap3A_143], %gather3A_140 {strides = array<i32>} : memref<16384xf32, #tpu.memory_space<vmem>>, vector<16xf32>,
        %mul3A_145 = arith.constant 4 : i32
        %mul3A_146 = arith.muli %scan3A_78, %mul3A_145 : i32
        %add3A_147 = arith.constant 2 : i32
        %add3A_148 = arith.addi %mul3A_146, %add3A_147 : i32
        %mul3A_149 = arith.constant 64 : i32
        %mul3A_150 = arith.muli %add3A_148, %mul3A_149 : i32
        %add3A_151 = vector.broadcast %mul3A_150 : i32 to vector<16xi32>
        %add3A_152 = arith.addi %get3A_3, %add3A_151 : vector<16xi32>
        %gather3A_153 = tpu.vector_load_idx %arg5[%add3A_152] : memref<16384xf32, #tpu.memory_space<vmem>>[vector<16xi32>], vector<16xf32>,
        %add3A_154 = arith.constant 0 : i32
        %add3A_155 = arith.addi %mul3A_150, %add3A_154 : i32
        %swap3A_156 = arith.index_cast %add3A_155 : i32 to index
        %swap3A_157 = tpu.vector_load %arg7[%swap3A_156] {strides = array<i32>} : memref<16384xf32, #tpu.memory_space<vmem>>, vector<16xf32>,
        tpu.vector_store %arg7[%swap3A_156], %gather3A_153 {strides = array<i32>} : memref<16384xf32, #tpu.memory_space<vmem>>, vector<16xf32>,
        %add3A_158 = vector.broadcast %mul3A_150 : i32 to vector<16xi32>
        %add3A_159 = arith.addi %get3A_5, %add3A_158 : vector<16xi32>
        %gather3A_160 = tpu.vector_load_idx %arg5[%add3A_159] : memref<16384xf32, #tpu.memory_space<vmem>>[vector<16xi32>], vector<16xf32>,
        %add3A_161 = arith.constant 16 : i32
        %add3A_162 = arith.addi %mul3A_150, %add3A_161 : i32
        %swap3A_163 = arith.index_cast %add3A_162 : i32 to index
        %swap3A_164 = tpu.vector_load %arg7[%swap3A_163] {strides = array<i32>} : memref<16384xf32, #tpu.memory_space<vmem>>, vector<16xf32>,
        tpu.vector_store %arg7[%swap3A_163], %gather3A_160 {strides = array<i32>} : memref<16384xf32, #tpu.memory_space<vmem>>, vector<16xf32>,
        %add3A_165 = vector.broadcast %mul3A_150 : i32 to vector<16xi32>
        %add3A_166 = arith.addi %get3A_7, %add3A_165 : vector<16xi32>
        %gather3A_167 = tpu.vector_load_idx %arg5[%add3A_166] : memref<16384xf32, #tpu.memory_space<vmem>>[vector<16xi32>], vector<16xf32>,
        %add3A_168 = arith.constant 32 : i32
        %add3A_169 = arith.addi %mul3A_150, %add3A_168 : i32
        %swap3A_170 = arith.index_cast %add3A_169 : i32 to index
        %swap3A_171 = tpu.vector_load %arg7[%swap3A_170] {strides = array<i32>} : memref<16384xf32, #tpu.memory_space<vmem>>, vector<16xf32>,
        tpu.vector_store %arg7[%swap3A_170], %gather3A_167 {strides = array<i32>} : memref<16384xf32, #tpu.memory_space<vmem>>, vector<16xf32>,
        %add3A_172 = vector.broadcast %mul3A_150 : i32 to vector<16xi32>
        %add3A_173 = arith.addi %get3A_9, %add3A_172 : vector<16xi32>
        %gather3A_174 = tpu.vector_load_idx %arg5[%add3A_173] : memref<16384xf32, #tpu.memory_space<vmem>>[vector<16xi32>], vector<16xf32>,
        %add3A_175 = arith.constant 48 : i32
        %add3A_176 = arith.addi %mul3A_150, %add3A_175 : i32
        %swap3A_177 = arith.index_cast %add3A_176 : i32 to index
        %swap3A_178 = tpu.vector_load %arg7[%swap3A_177] {strides = array<i32>} : memref<16384xf32, #tpu.memory_space<vmem>>, vector<16xf32>,
        tpu.vector_store %arg7[%swap3A_177], %gather3A_174 {strides = array<i32>} : memref<16384xf32, #tpu.memory_space<vmem>>, vector<16xf32>,
        %mul3A_179 = arith.constant 4 : i32
        %mul3A_180 = arith.muli %scan3A_78, %mul3A_179 : i32
        %add3A_181 = arith.constant 3 : i32
        %add3A_182 = arith.addi %mul3A_180, %add3A_181 : i32
        %mul3A_183 = arith.constant 64 : i32
        %mul3A_184 = arith.muli %add3A_182, %mul3A_183 : i32
        %add3A_185 = vector.broadcast %mul3A_184 : i32 to vector<16xi32>
        %add3A_186 = arith.addi %get3A_3, %add3A_185 : vector<16xi32>
        %gather3A_187 = tpu.vector_load_idx %arg5[%add3A_186] : memref<16384xf32, #tpu.memory_space<vmem>>[vector<16xi32>], vector<16xf32>,
        %add3A_188 = arith.constant 0 : i32
        %add3A_189 = arith.addi %mul3A_184, %add3A_188 : i32
        %swap3A_190 = arith.index_cast %add3A_189 : i32 to index
        %swap3A_191 = tpu.vector_load %arg7[%swap3A_190] {strides = array<i32>} : memref<16384xf32, #tpu.memory_space<vmem>>, vector<16xf32>,
        tpu.vector_store %arg7[%swap3A_190], %gather3A_187 {strides = array<i32>} : memref<16384xf32, #tpu.memory_space<vmem>>, vector<16xf32>,
        %add3A_192 = vector.broadcast %mul3A_184 : i32 to vector<16xi32>
        %add3A_193 = arith.addi %get3A_5, %add3A_192 : vector<16xi32>
        %gather3A_194 = tpu.vector_load_idx %arg5[%add3A_193] : memref<16384xf32, #tpu.memory_space<vmem>>[vector<16xi32>], vector<16xf32>,
        %add3A_195 = arith.constant 16 : i32
        %add3A_196 = arith.addi %mul3A_184, %add3A_195 : i32
        %swap3A_197 = arith.index_cast %add3A_196 : i32 to index
        %swap3A_198 = tpu.vector_load %arg7[%swap3A_197] {strides = array<i32>} : memref<16384xf32, #tpu.memory_space<vmem>>, vector<16xf32>,
        tpu.vector_store %arg7[%swap3A_197], %gather3A_194 {strides = array<i32>} : memref<16384xf32, #tpu.memory_space<vmem>>, vector<16xf32>,
        %add3A_199 = vector.broadcast %mul3A_184 : i32 to vector<16xi32>
        %add3A_200 = arith.addi %get3A_7, %add3A_199 : vector<16xi32>
        %gather3A_201 = tpu.vector_load_idx %arg5[%add3A_200] : memref<16384xf32, #tpu.memory_space<vmem>>[vector<16xi32>], vector<16xf32>,
        %add3A_202 = arith.constant 32 : i32
        %add3A_203 = arith.addi %mul3A_184, %add3A_202 : i32
        %swap3A_204 = arith.index_cast %add3A_203 : i32 to index
        %swap3A_205 = tpu.vector_load %arg7[%swap3A_204] {strides = array<i32>} : memref<16384xf32, #tpu.memory_space<vmem>>, vector<16xf32>,
        tpu.vector_store %arg7[%swap3A_204], %gather3A_201 {strides = array<i32>} : memref<16384xf32, #tpu.memory_space<vmem>>, vector<16xf32>,
        %add3A_206 = vector.broadcast %mul3A_184 : i32 to vector<16xi32>
        %add3A_207 = arith.addi %get3A_9, %add3A_206 : vector<16xi32>
        %gather3A_208 = tpu.vector_load_idx %arg5[%add3A_207] : memref<16384xf32, #tpu.memory_space<vmem>>[vector<16xi32>], vector<16xf32>,
        %add3A_209 = arith.constant 48 : i32
        %add3A_210 = arith.addi %mul3A_184, %add3A_209 : i32
        %swap3A_211 = arith.index_cast %add3A_210 : i32 to index
        %swap3A_212 = tpu.vector_load %arg7[%swap3A_211] {strides = array<i32>} : memref<16384xf32, #tpu.memory_space<vmem>>, vector<16xf32>,
        tpu.vector_store %arg7[%swap3A_211], %gather3A_208 {strides = array<i32>} : memref<16384xf32, #tpu.memory_space<vmem>>, vector<16xf32>,
      }
      %scan3A_44 = arith.constant 64 : i32
      %dma_start3A_45 = tpu.memref_slice %arg4[%add3A_34] : memref<16777216xf32, #tpu.memory_space<hbm>> -> memref<16384xf32, #tpu.memory_space<hbm>>
      %dma_start3A_46 = tpu.memref_slice %arg4[%add3A_34] : memref<16777216xf32, #tpu.memory_space<hbm>> -> memref<16384xf32, #tpu.memory_space<hbm>>
      tpu.enqueue_dma source(%arg7 : memref<16384xf32, #tpu.memory_space<vmem>>) target(%dma_start3A_46 : memref<16384xf32, #tpu.memory_space<hbm>>) target_semaphore(%arg12 : memref<!tpu.dma_semaphore, #tpu.memory_space<semaphore_mem>>)
      %lt3A = arith.constant 15 : i32
      %lt3A_47 = arith.cmpi slt, %scan3A_27, %lt3A : i32
      %convert_element_type3A_48 = arith.extui %lt3A_47 : i1 to i32
      %cond3A_49 = arith.constant 0 : i32
      %cond3A_50 = arith.cmpi ne, %convert_element_type3A_48, %cond3A_49 : i32
      scf.if %cond3A_50 {
        %add3A_78 = arith.constant 32768 : i32
        %add3A_79 = arith.addi %add3A_34, %add3A_78 : i32
        %dma_start3A_80 = tpu.memref_slice %arg2[%add3A_79] : memref<16777216xf32, #tpu.memory_space<hbm>> -> memref<16384xf32, #tpu.memory_space<hbm>>
        %dma_start3A_81 = tpu.memref_slice %arg2[%add3A_79] : memref<16777216xf32, #tpu.memory_space<hbm>> -> memref<16384xf32, #tpu.memory_space<hbm>>
        tpu.enqueue_dma source(%dma_start3A_81 : memref<16384xf32, #tpu.memory_space<hbm>>) target(%arg5 : memref<16384xf32, #tpu.memory_space<vmem>>) target_semaphore(%arg10 : memref<!tpu.dma_semaphore, #tpu.memory_space<semaphore_mem>>)
      } else {
      }
      %mul3A_51 = arith.constant 2 : i32
      %mul3A_52 = arith.muli %scan3A_27, %mul3A_51 : i32
      %add3A_53 = arith.constant 1 : i32
      %add3A_54 = arith.addi %mul3A_52, %add3A_53 : i32
      %mul3A_55 = arith.constant 16384 : i32
      %mul3A_56 = arith.muli %add3A_54, %mul3A_55 : i32
      %add3A_57 = arith.addi %mul3A_2, %mul3A_56 : i32
      %dma_wait3A_58 = tpu.memref_slice %arg2[%add3A_57] : memref<16777216xf32, #tpu.memory_space<hbm>> -> memref<16384xf32, #tpu.memory_space<hbm>>
      %dma_wait3A_59 = tpu.memref_slice %arg2[%add3A_57] : memref<16777216xf32, #tpu.memory_space<hbm>> -> memref<16384xf32, #tpu.memory_space<hbm>>
      tpu.wait_dma2 semaphore(%arg11 : memref<!tpu.dma_semaphore, #tpu.memory_space<semaphore_mem>>) src(%dma_wait3A_59 : memref<16384xf32, #tpu.memory_space<hbm>>) dst(%arg6 : memref<16384xf32, #tpu.memory_space<vmem>>)
      %gt3A_60 = arith.constant 0 : i32
      %gt3A_61 = arith.cmpi sgt, %scan3A_27, %gt3A_60 : i32
      %convert_element_type3A_62 = arith.extui %gt3A_61 : i1 to i32
      %cond3A_63 = arith.constant 0 : i32
      %cond3A_64 = arith.cmpi ne, %convert_element_type3A_62, %cond3A_63 : i32
      scf.if %cond3A_64 {
        %dma_wait3A_78 = tpu.memref_slice %arg4[%add3A_57] : memref<16777216xf32, #tpu.memory_space<hbm>> -> memref<16384xf32, #tpu.memory_space<hbm>>
        %dma_wait3A_79 = tpu.memref_slice %arg4[%add3A_57] : memref<16777216xf32, #tpu.memory_space<hbm>> -> memref<16384xf32, #tpu.memory_space<hbm>>
        tpu.wait_dma2 semaphore(%arg13 : memref<!tpu.dma_semaphore, #tpu.memory_space<semaphore_mem>>) src(%arg8 : memref<16384xf32, #tpu.memory_space<vmem>>) dst(%dma_wait3A_79 : memref<16384xf32, #tpu.memory_space<hbm>>)
      } else {
      }
      %scan3A_65 = arith.constant 0 : i32
      %scan3A_66 = arith.constant 0 : i32
      %scan3A_67 = arith.constant 64 : i32
      %scan3A_68 = arith.addi %scan3A_66, %scan3A_67 : i32
      %scan3A_69 = arith.constant 1 : i32
      scf.for %scan3A_78 = %scan3A_66 to %scan3A_68 step %scan3A_69  : i32 {
        %mul3A_79 = arith.constant 4 : i32
        %mul3A_80 = arith.muli %scan3A_78, %mul3A_79 : i32
        %add3A_81 = arith.constant 0 : i32
        %add3A_82 = arith.addi %mul3A_80, %add3A_81 : i32
        %mul3A_83 = arith.constant 64 : i32
        %mul3A_84 = arith.muli %add3A_82, %mul3A_83 : i32
        %add3A_85 = vector.broadcast %mul3A_84 : i32 to vector<16xi32>
        %add3A_86 = arith.addi %get3A_3, %add3A_85 : vector<16xi32>
        %gather3A = tpu.vector_load_idx %arg6[%add3A_86] : memref<16384xf32, #tpu.memory_space<vmem>>[vector<16xi32>], vector<16xf32>,
        %add3A_87 = arith.constant 0 : i32
        %add3A_88 = arith.addi %mul3A_84, %add3A_87 : i32
        %swap3A = arith.index_cast %add3A_88 : i32 to index
        %swap3A_89 = tpu.vector_load %arg8[%swap3A] {strides = array<i32>} : memref<16384xf32, #tpu.memory_space<vmem>>, vector<16xf32>,
        tpu.vector_store %arg8[%swap3A], %gather3A {strides = array<i32>} : memref<16384xf32, #tpu.memory_space<vmem>>, vector<16xf32>,
        %add3A_90 = vector.broadcast %mul3A_84 : i32 to vector<16xi32>
        %add3A_91 = arith.addi %get3A_5, %add3A_90 : vector<16xi32>
        %gather3A_92 = tpu.vector_load_idx %arg6[%add3A_91] : memref<16384xf32, #tpu.memory_space<vmem>>[vector<16xi32>], vector<16xf32>,
        %add3A_93 = arith.constant 16 : i32
        %add3A_94 = arith.addi %mul3A_84, %add3A_93 : i32
        %swap3A_95 = arith.index_cast %add3A_94 : i32 to index
        %swap3A_96 = tpu.vector_load %arg8[%swap3A_95] {strides = array<i32>} : memref<16384xf32, #tpu.memory_space<vmem>>, vector<16xf32>,
        tpu.vector_store %arg8[%swap3A_95], %gather3A_92 {strides = array<i32>} : memref<16384xf32, #tpu.memory_space<vmem>>, vector<16xf32>,
        %add3A_97 = vector.broadcast %mul3A_84 : i32 to vector<16xi32>
        %add3A_98 = arith.addi %get3A_7, %add3A_97 : vector<16xi32>
        %gather3A_99 = tpu.vector_load_idx %arg6[%add3A_98] : memref<16384xf32, #tpu.memory_space<vmem>>[vector<16xi32>], vector<16xf32>,
        %add3A_100 = arith.constant 32 : i32
        %add3A_101 = arith.addi %mul3A_84, %add3A_100 : i32
        %swap3A_102 = arith.index_cast %add3A_101 : i32 to index
        %swap3A_103 = tpu.vector_load %arg8[%swap3A_102] {strides = array<i32>} : memref<16384xf32, #tpu.memory_space<vmem>>, vector<16xf32>,
        tpu.vector_store %arg8[%swap3A_102], %gather3A_99 {strides = array<i32>} : memref<16384xf32, #tpu.memory_space<vmem>>, vector<16xf32>,
        %add3A_104 = vector.broadcast %mul3A_84 : i32 to vector<16xi32>
        %add3A_105 = arith.addi %get3A_9, %add3A_104 : vector<16xi32>
        %gather3A_106 = tpu.vector_load_idx %arg6[%add3A_105] : memref<16384xf32, #tpu.memory_space<vmem>>[vector<16xi32>], vector<16xf32>,
        %add3A_107 = arith.constant 48 : i32
        %add3A_108 = arith.addi %mul3A_84, %add3A_107 : i32
        %swap3A_109 = arith.index_cast %add3A_108 : i32 to index
        %swap3A_110 = tpu.vector_load %arg8[%swap3A_109] {strides = array<i32>} : memref<16384xf32, #tpu.memory_space<vmem>>, vector<16xf32>,
        tpu.vector_store %arg8[%swap3A_109], %gather3A_106 {strides = array<i32>} : memref<16384xf32, #tpu.memory_space<vmem>>, vector<16xf32>,
        %mul3A_111 = arith.constant 4 : i32
        %mul3A_112 = arith.muli %scan3A_78, %mul3A_111 : i32
        %add3A_113 = arith.constant 1 : i32
        %add3A_114 = arith.addi %mul3A_112, %add3A_113 : i32
        %mul3A_115 = arith.constant 64 : i32
        %mul3A_116 = arith.muli %add3A_114, %mul3A_115 : i32
        %add3A_117 = vector.broadcast %mul3A_116 : i32 to vector<16xi32>
        %add3A_118 = arith.addi %get3A_3, %add3A_117 : vector<16xi32>
        %gather3A_119 = tpu.vector_load_idx %arg6[%add3A_118] : memref<16384xf32, #tpu.memory_space<vmem>>[vector<16xi32>], vector<16xf32>,
        %add3A_120 = arith.constant 0 : i32
        %add3A_121 = arith.addi %mul3A_116, %add3A_120 : i32
        %swap3A_122 = arith.index_cast %add3A_121 : i32 to index
        %swap3A_123 = tpu.vector_load %arg8[%swap3A_122] {strides = array<i32>} : memref<16384xf32, #tpu.memory_space<vmem>>, vector<16xf32>,
        tpu.vector_store %arg8[%swap3A_122], %gather3A_119 {strides = array<i32>} : memref<16384xf32, #tpu.memory_space<vmem>>, vector<16xf32>,
        %add3A_124 = vector.broadcast %mul3A_116 : i32 to vector<16xi32>
        %add3A_125 = arith.addi %get3A_5, %add3A_124 : vector<16xi32>
        %gather3A_126 = tpu.vector_load_idx %arg6[%add3A_125] : memref<16384xf32, #tpu.memory_space<vmem>>[vector<16xi32>], vector<16xf32>,
        %add3A_127 = arith.constant 16 : i32
        %add3A_128 = arith.addi %mul3A_116, %add3A_127 : i32
        %swap3A_129 = arith.index_cast %add3A_128 : i32 to index
        %swap3A_130 = tpu.vector_load %arg8[%swap3A_129] {strides = array<i32>} : memref<16384xf32, #tpu.memory_space<vmem>>, vector<16xf32>,
        tpu.vector_store %arg8[%swap3A_129], %gather3A_126 {strides = array<i32>} : memref<16384xf32, #tpu.memory_space<vmem>>, vector<16xf32>,
        %add3A_131 = vector.broadcast %mul3A_116 : i32 to vector<16xi32>
        %add3A_132 = arith.addi %get3A_7, %add3A_131 : vector<16xi32>
        %gather3A_133 = tpu.vector_load_idx %arg6[%add3A_132] : memref<16384xf32, #tpu.memory_space<vmem>>[vector<16xi32>], vector<16xf32>,
        %add3A_134 = arith.constant 32 : i32
        %add3A_135 = arith.addi %mul3A_116, %add3A_134 : i32
        %swap3A_136 = arith.index_cast %add3A_135 : i32 to index
        %swap3A_137 = tpu.vector_load %arg8[%swap3A_136] {strides = array<i32>} : memref<16384xf32, #tpu.memory_space<vmem>>, vector<16xf32>,
        tpu.vector_store %arg8[%swap3A_136], %gather3A_133 {strides = array<i32>} : memref<16384xf32, #tpu.memory_space<vmem>>, vector<16xf32>,
        %add3A_138 = vector.broadcast %mul3A_116 : i32 to vector<16xi32>
        %add3A_139 = arith.addi %get3A_9, %add3A_138 : vector<16xi32>
        %gather3A_140 = tpu.vector_load_idx %arg6[%add3A_139] : memref<16384xf32, #tpu.memory_space<vmem>>[vector<16xi32>], vector<16xf32>,
        %add3A_141 = arith.constant 48 : i32
        %add3A_142 = arith.addi %mul3A_116, %add3A_141 : i32
        %swap3A_143 = arith.index_cast %add3A_142 : i32 to index
        %swap3A_144 = tpu.vector_load %arg8[%swap3A_143] {strides = array<i32>} : memref<16384xf32, #tpu.memory_space<vmem>>, vector<16xf32>,
        tpu.vector_store %arg8[%swap3A_143], %gather3A_140 {strides = array<i32>} : memref<16384xf32, #tpu.memory_space<vmem>>, vector<16xf32>,
        %mul3A_145 = arith.constant 4 : i32
        %mul3A_146 = arith.muli %scan3A_78, %mul3A_145 : i32
        %add3A_147 = arith.constant 2 : i32
        %add3A_148 = arith.addi %mul3A_146, %add3A_147 : i32
        %mul3A_149 = arith.constant 64 : i32
        %mul3A_150 = arith.muli %add3A_148, %mul3A_149 : i32
        %add3A_151 = vector.broadcast %mul3A_150 : i32 to vector<16xi32>
        %add3A_152 = arith.addi %get3A_3, %add3A_151 : vector<16xi32>
        %gather3A_153 = tpu.vector_load_idx %arg6[%add3A_152] : memref<16384xf32, #tpu.memory_space<vmem>>[vector<16xi32>], vector<16xf32>,
        %add3A_154 = arith.constant 0 : i32
        %add3A_155 = arith.addi %mul3A_150, %add3A_154 : i32
        %swap3A_156 = arith.index_cast %add3A_155 : i32 to index
        %swap3A_157 = tpu.vector_load %arg8[%swap3A_156] {strides = array<i32>} : memref<16384xf32, #tpu.memory_space<vmem>>, vector<16xf32>,
        tpu.vector_store %arg8[%swap3A_156], %gather3A_153 {strides = array<i32>} : memref<16384xf32, #tpu.memory_space<vmem>>, vector<16xf32>,
        %add3A_158 = vector.broadcast %mul3A_150 : i32 to vector<16xi32>
        %add3A_159 = arith.addi %get3A_5, %add3A_158 : vector<16xi32>
        %gather3A_160 = tpu.vector_load_idx %arg6[%add3A_159] : memref<16384xf32, #tpu.memory_space<vmem>>[vector<16xi32>], vector<16xf32>,
        %add3A_161 = arith.constant 16 : i32
        %add3A_162 = arith.addi %mul3A_150, %add3A_161 : i32
        %swap3A_163 = arith.index_cast %add3A_162 : i32 to index
        %swap3A_164 = tpu.vector_load %arg8[%swap3A_163] {strides = array<i32>} : memref<16384xf32, #tpu.memory_space<vmem>>, vector<16xf32>,
        tpu.vector_store %arg8[%swap3A_163], %gather3A_160 {strides = array<i32>} : memref<16384xf32, #tpu.memory_space<vmem>>, vector<16xf32>,
        %add3A_165 = vector.broadcast %mul3A_150 : i32 to vector<16xi32>
        %add3A_166 = arith.addi %get3A_7, %add3A_165 : vector<16xi32>
        %gather3A_167 = tpu.vector_load_idx %arg6[%add3A_166] : memref<16384xf32, #tpu.memory_space<vmem>>[vector<16xi32>], vector<16xf32>,
        %add3A_168 = arith.constant 32 : i32
        %add3A_169 = arith.addi %mul3A_150, %add3A_168 : i32
        %swap3A_170 = arith.index_cast %add3A_169 : i32 to index
        %swap3A_171 = tpu.vector_load %arg8[%swap3A_170] {strides = array<i32>} : memref<16384xf32, #tpu.memory_space<vmem>>, vector<16xf32>,
        tpu.vector_store %arg8[%swap3A_170], %gather3A_167 {strides = array<i32>} : memref<16384xf32, #tpu.memory_space<vmem>>, vector<16xf32>,
        %add3A_172 = vector.broadcast %mul3A_150 : i32 to vector<16xi32>
        %add3A_173 = arith.addi %get3A_9, %add3A_172 : vector<16xi32>
        %gather3A_174 = tpu.vector_load_idx %arg6[%add3A_173] : memref<16384xf32, #tpu.memory_space<vmem>>[vector<16xi32>], vector<16xf32>,
        %add3A_175 = arith.constant 48 : i32
        %add3A_176 = arith.addi %mul3A_150, %add3A_175 : i32
        %swap3A_177 = arith.index_cast %add3A_176 : i32 to index
        %swap3A_178 = tpu.vector_load %arg8[%swap3A_177] {strides = array<i32>} : memref<16384xf32, #tpu.memory_space<vmem>>, vector<16xf32>,
        tpu.vector_store %arg8[%swap3A_177], %gather3A_174 {strides = array<i32>} : memref<16384xf32, #tpu.memory_space<vmem>>, vector<16xf32>,
        %mul3A_179 = arith.constant 4 : i32
        %mul3A_180 = arith.muli %scan3A_78, %mul3A_179 : i32
        %add3A_181 = arith.constant 3 : i32
        %add3A_182 = arith.addi %mul3A_180, %add3A_181 : i32
        %mul3A_183 = arith.constant 64 : i32
        %mul3A_184 = arith.muli %add3A_182, %mul3A_183 : i32
        %add3A_185 = vector.broadcast %mul3A_184 : i32 to vector<16xi32>
        %add3A_186 = arith.addi %get3A_3, %add3A_185 : vector<16xi32>
        %gather3A_187 = tpu.vector_load_idx %arg6[%add3A_186] : memref<16384xf32, #tpu.memory_space<vmem>>[vector<16xi32>], vector<16xf32>,
        %add3A_188 = arith.constant 0 : i32
        %add3A_189 = arith.addi %mul3A_184, %add3A_188 : i32
        %swap3A_190 = arith.index_cast %add3A_189 : i32 to index
        %swap3A_191 = tpu.vector_load %arg8[%swap3A_190] {strides = array<i32>} : memref<16384xf32, #tpu.memory_space<vmem>>, vector<16xf32>,
        tpu.vector_store %arg8[%swap3A_190], %gather3A_187 {strides = array<i32>} : memref<16384xf32, #tpu.memory_space<vmem>>, vector<16xf32>,
        %add3A_192 = vector.broadcast %mul3A_184 : i32 to vector<16xi32>
        %add3A_193 = arith.addi %get3A_5, %add3A_192 : vector<16xi32>
        %gather3A_194 = tpu.vector_load_idx %arg6[%add3A_193] : memref<16384xf32, #tpu.memory_space<vmem>>[vector<16xi32>], vector<16xf32>,
        %add3A_195 = arith.constant 16 : i32
        %add3A_196 = arith.addi %mul3A_184, %add3A_195 : i32
        %swap3A_197 = arith.index_cast %add3A_196 : i32 to index
        %swap3A_198 = tpu.vector_load %arg8[%swap3A_197] {strides = array<i32>} : memref<16384xf32, #tpu.memory_space<vmem>>, vector<16xf32>,
        tpu.vector_store %arg8[%swap3A_197], %gather3A_194 {strides = array<i32>} : memref<16384xf32, #tpu.memory_space<vmem>>, vector<16xf32>,
        %add3A_199 = vector.broadcast %mul3A_184 : i32 to vector<16xi32>
        %add3A_200 = arith.addi %get3A_7, %add3A_199 : vector<16xi32>
        %gather3A_201 = tpu.vector_load_idx %arg6[%add3A_200] : memref<16384xf32, #tpu.memory_space<vmem>>[vector<16xi32>], vector<16xf32>,
        %add3A_202 = arith.constant 32 : i32
        %add3A_203 = arith.addi %mul3A_184, %add3A_202 : i32
        %swap3A_204 = arith.index_cast %add3A_203 : i32 to index
        %swap3A_205 = tpu.vector_load %arg8[%swap3A_204] {strides = array<i32>} : memref<16384xf32, #tpu.memory_space<vmem>>, vector<16xf32>,
        tpu.vector_store %arg8[%swap3A_204], %gather3A_201 {strides = array<i32>} : memref<16384xf32, #tpu.memory_space<vmem>>, vector<16xf32>,
        %add3A_206 = vector.broadcast %mul3A_184 : i32 to vector<16xi32>
        %add3A_207 = arith.addi %get3A_9, %add3A_206 : vector<16xi32>
        %gather3A_208 = tpu.vector_load_idx %arg6[%add3A_207] : memref<16384xf32, #tpu.memory_space<vmem>>[vector<16xi32>], vector<16xf32>,
        %add3A_209 = arith.constant 48 : i32
        %add3A_210 = arith.addi %mul3A_184, %add3A_209 : i32
        %swap3A_211 = arith.index_cast %add3A_210 : i32 to index
        %swap3A_212 = tpu.vector_load %arg8[%swap3A_211] {strides = array<i32>} : memref<16384xf32, #tpu.memory_space<vmem>>, vector<16xf32>,
        tpu.vector_store %arg8[%swap3A_211], %gather3A_208 {strides = array<i32>} : memref<16384xf32, #tpu.memory_space<vmem>>, vector<16xf32>,
      }
      %scan3A_70 = arith.constant 64 : i32
      %dma_start3A_71 = tpu.memref_slice %arg4[%add3A_57] : memref<16777216xf32, #tpu.memory_space<hbm>> -> memref<16384xf32, #tpu.memory_space<hbm>>
      %dma_start3A_72 = tpu.memref_slice %arg4[%add3A_57] : memref<16777216xf32, #tpu.memory_space<hbm>> -> memref<16384xf32, #tpu.memory_space<hbm>>
      tpu.enqueue_dma source(%arg8 : memref<16384xf32, #tpu.memory_space<vmem>>) target(%dma_start3A_72 : memref<16384xf32, #tpu.memory_space<hbm>>) target_semaphore(%arg13 : memref<!tpu.dma_semaphore, #tpu.memory_space<semaphore_mem>>)
      %lt3A_73 = arith.constant 15 : i32
      %lt3A_74 = arith.cmpi slt, %scan3A_27, %lt3A_73 : i32
      %convert_element_type3A_75 = arith.extui %lt3A_74 : i1 to i32
      %cond3A_76 = arith.constant 0 : i32
      %cond3A_77 = arith.cmpi ne, %convert_element_type3A_75, %cond3A_76 : i32
      scf.if %cond3A_77 {
        %add3A_78 = arith.constant 32768 : i32
        %add3A_79 = arith.addi %add3A_57, %add3A_78 : i32
        %dma_start3A_80 = tpu.memref_slice %arg2[%add3A_79] : memref<16777216xf32, #tpu.memory_space<hbm>> -> memref<16384xf32, #tpu.memory_space<hbm>>
        %dma_start3A_81 = tpu.memref_slice %arg2[%add3A_79] : memref<16777216xf32, #tpu.memory_space<hbm>> -> memref<16384xf32, #tpu.memory_space<hbm>>
        tpu.enqueue_dma source(%dma_start3A_81 : memref<16384xf32, #tpu.memory_space<hbm>>) target(%arg6 : memref<16384xf32, #tpu.memory_space<vmem>>) target_semaphore(%arg11 : memref<!tpu.dma_semaphore, #tpu.memory_space<semaphore_mem>>)
      } else {
      }
    }
    %scan3A_19 = arith.constant 16 : i32
    %add3A_20 = arith.constant 491520 : i32
    %add3A_21 = arith.addi %mul3A_2, %add3A_20 : i32
    %dma_wait3A = tpu.memref_slice %arg4[%add3A_21] : memref<16777216xf32, #tpu.memory_space<hbm>> -> memref<16384xf32, #tpu.memory_space<hbm>>
    %dma_wait3A_22 = tpu.memref_slice %arg4[%add3A_21] : memref<16777216xf32, #tpu.memory_space<hbm>> -> memref<16384xf32, #tpu.memory_space<hbm>>
    tpu.wait_dma2 semaphore(%arg12 : memref<!tpu.dma_semaphore, #tpu.memory_space<semaphore_mem>>) src(%arg7 : memref<16384xf32, #tpu.memory_space<vmem>>) dst(%dma_wait3A_22 : memref<16384xf32, #tpu.memory_space<hbm>>)
    %add3A_23 = arith.constant 507904 : i32
    %add3A_24 = arith.addi %mul3A_2, %add3A_23 : i32
    %dma_wait3A_25 = tpu.memref_slice %arg4[%add3A_24] : memref<16777216xf32, #tpu.memory_space<hbm>> -> memref<16384xf32, #tpu.memory_space<hbm>>
    %dma_wait3A_26 = tpu.memref_slice %arg4[%add3A_24] : memref<16777216xf32, #tpu.memory_space<hbm>> -> memref<16384xf32, #tpu.memory_space<hbm>>
    tpu.wait_dma2 semaphore(%arg13 : memref<!tpu.dma_semaphore, #tpu.memory_space<semaphore_mem>>) src(%arg8 : memref<16384xf32, #tpu.memory_space<vmem>>) dst(%dma_wait3A_26 : memref<16384xf32, #tpu.memory_space<hbm>>)
    return
  }
}

</mosaic_0001>

<sc_bundles>
// kernel: kernel.3.cloned.1.call-start
scs
__scs_entry_jumppad:
0x0: {  	(pc) =	sbr.rel $0x88, $3  }
0x1: {  	(tag) =	ssettag $0x0;
	lr =	simm.s32 $0x1  }
0x2: {  	[smem:$0x3F9F] =	sst lr;
	_ =	strace $0xD0000000  }
0x3: {  	_ = 	snop  }
0x4: {  	_ = 	snop  }
0x5: {  	_ = 	snop  }
0x6: {  	_ = 	snop  }
0x7: {  	_ = 	snop  }
__scs_overlays_trampoline_lowered:
0x8: {  	[smem:$0x3FAE] =	sst s0  }
0x9: {  	[smem:$0x3FAF] =	sst s1  }
0xa: {  	[smem:$0x3FB0] =	sst s2  }
0xb: {  	[smem:$0x3FB1] =	sst s3  }
0xc: {  	[smem:$0x3FB2] =	sst s4  }
0xd: {  	[smem:$0x3FB3] =	sst s5  }
0xe: {  	[smem:$0x3FB4] =	sst s6  }
0xf: {  	[smem:$0x3FB5] =	sst s7  }
0x10: {  	[smem:$0x3FB6] =	sst s8  }
0x11: {  	[smem:$0x3FB7] =	sst s9;
	s0 =	simm.s32 @!p0 $0x0  }
0x12: {  	s1 =	sld [smem:$0x3F9D];
	s0 =	simm.s32 @p0 $0x1  }
0x13: {  	[smem:$0x3FB8] =	sst s0;
	s0 =	simm.s32 @!p1 $0x0  }
0x14: {  	s2 =	sld [smem:$0x3F9C];
	s0 =	simm.s32 @p1 $0x1  }
0x15: {  	[smem:$0x3FB9] =	sst s0;
	s0 =	simm.s32 @!p2 $0x0  }
0x16: {  	s3 =	sld [smem:$0x3FDB];
	s0 =	simm.s32 @p2 $0x1  }
0x17: {  	s4 =	simm.s32 $0x1BF5;
	[smem:$0x3FBB] =	sst s0  }
0x18: {  	s0 =	sld [smem:$0x3F9E];
	_ =	swait.ge [sflag:s4], $0x0  }
0x19: {  	s7 =	sld [smem:$0x3F9F]  }
0x1a: {  	s8 =	sadd.s32 $0xFFFFE003, lr  }
0x1b: {  	s9 =	sadd.s32 $0xFFFFFEF7, lr;
	s5 =	simm.s32 $0xFFFFFFFF;
	p2 =	slt.u32 s8, $0xFFFFF086  }
0x1c: {  	p1 =	slt.u32 s9, $0xF7A;
	s5 =	simm.s32 @!p2 $0x0  }
0x1d: {  	s5 =	simm.s32 @p1 $0x1;
	p0 =	seq.s32 s7, s2  }
0x1e: {  	s7 =	smul.u32 @!p0 $0xF7A, s2;
	p2 =	seq.s32 @!p0 s5, $0x0  }
0x1f: {  	s9 =	smul.u32 $0xF7A, s1;
	s8 =	simm.s32 @!p0 $0x1BF5;
	p2 =	por !p2, p0  }
0x20: {  	[sflag:s8] =	ssyncset.s32 @!p0 $0xFFFFF086;
	s6 =	sadd.s32 @!p0 s3, s7;
	s7 =	simm.s32 @!p0 $0x108  }
0x21: {  	s3 =	sadd.s32 s3, s9;
	s6 =	sadd.s32 @!p0 $0x88, s6;
	s7 =	simm.s32 @p2 $0x1082  }
0x22: {  	[simem:s7], [sflag:s8] =	dma.local @!p0 [hbm:s6], $0xF7A  }
0x23: {  	s9 =	sor.u32 $0xD0000000, s2;
	s6 =	simm.s32 $0x108;
	_ =	swait.ge @!p0 [sflag:s8], $0x0  }
0x24: {  	s3 =	sadd.s32 $0x88, s3;
	s6 =	simm.s32 @!p1 $0x1082;
	[sflag:s4] =	ssyncset.s32 $0xFFFFF086  }
0x25: {  	[simem:s6], [sflag:s4] =	dma.local [hbm:s3], $0xF7A  }
0x26: {  	[smem:$0x3F9F] =	sst s1;
	(tag) =	ssettag s2;
	_ =	strace s9  }
0x27: {  	s1 =	sld [smem:$0x3FAF]  }
0x28: {  	s2 =	sld [smem:$0x3FB0]  }
0x29: {  	s4 =	sld [smem:$0x3FB2]  }
0x2a: {  	p0 =	seq.s32 s5, $0x0;
	s5 =	sld [smem:$0x3FB3]  }
0x2b: {  	s6 =	sld [smem:$0x3FB4]  }
0x2c: {  	s7 =	sld [smem:$0x3FB5]  }
0x2d: {  	s3 =	simm.s32 $0x108;
	s8 =	sld [smem:$0x3FB6]  }
0x2e: {  	s3 =	simm.s32 @!p0 $0x1082;
	s9 =	sld [smem:$0x3FB7]  }
0x2f: {  	lr =	sadd.s32 s0, s3;
	s0 =	sld [smem:$0x3FAE]  }
0x30: {  	s3 =	sld [smem:$0x3FB1]  }
0x31: {  	[smem:$0x3FBA] =	sst s10  }
0x32: {  	s10 =	sld [smem:$0x3FB8];
	_ =	sdelay $0x3  }
0x33: {  	p0 =	seq.s32 s10, $0x1;
	s10 =	sld [smem:$0x3FBA];
	_ =	sdelay $0x3  }
0x34: {  	[smem:$0x3FBA] =	sst s10  }
0x35: {  	s10 =	sld [smem:$0x3FB9];
	_ =	sdelay $0x3  }
0x36: {  	p1 =	seq.s32 s10, $0x1;
	s10 =	sld [smem:$0x3FBA];
	_ =	sdelay $0x3  }
0x37: {  	[smem:$0x3FBA] =	sst s10  }
0x38: {  	s10 =	sld [smem:$0x3FBB]  }
0x39: {  	_ = 	snop;
	(pc) =	sbr.ind lr, $3  }
0x3a: {  	_ = 	snop  }
0x3b: {  	_ = 	snop  }
0x3c: {  	p2 =	seq.s32 s10, $0x1;
	s10 =	sld [smem:$0x3FBA]  }
0x3d: {  	_ =	shalt  }
0x3e: {  	_ =	shalt  }
0x3f: {  	_ =	shalt  }
0x40: {  	_ =	shalt  }
0x41: {  	_ =	shalt  }
0x42: {  	_ =	shalt  }
0x43: {  	_ =	shalt  }
0x44: {  	_ =	shalt  }
0x45: {  	_ =	shalt  }
0x46: {  	_ =	shalt  }
0x47: {  	_ =	shalt  }
0x48: {  	_ =	shalt  }
0x49: {  	_ =	shalt  }
0x4a: {  	_ =	shalt  }
0x4b: {  	_ =	shalt  }
0x4c: {  	_ =	shalt  }
0x4d: {  	_ =	shalt  }
0x4e: {  	_ =	shalt  }
0x4f: {  	_ =	shalt  }
0x50: {  	_ =	shalt  }
0x51: {  	_ =	shalt  }
0x52: {  	_ =	shalt  }
0x53: {  	_ =	shalt  }
0x54: {  	_ =	shalt  }
0x55: {  	_ =	shalt  }
0x56: {  	_ =	shalt  }
0x57: {  	_ =	shalt  }
0x58: {  	_ =	shalt  }
0x59: {  	_ =	shalt  }
0x5a: {  	_ =	shalt  }
0x5b: {  	_ =	shalt  }
0x5c: {  	_ =	shalt  }
0x5d: {  	_ =	shalt  }
0x5e: {  	_ =	shalt  }
0x5f: {  	_ =	shalt  }
0x60: {  	_ =	shalt  }
0x61: {  	_ =	shalt  }
0x62: {  	_ =	shalt  }
0x63: {  	_ =	shalt  }
0x64: {  	_ =	shalt  }
0x65: {  	_ =	shalt  }
0x66: {  	_ =	shalt  }
0x67: {  	_ =	shalt  }
0x68: {  	_ =	shalt  }
0x69: {  	_ =	shalt  }
0x6a: {  	_ =	shalt  }
0x6b: {  	_ =	shalt  }
0x6c: {  	_ =	shalt  }
0x6d: {  	_ =	shalt  }
0x6e: {  	_ =	shalt  }
0x6f: {  	_ =	shalt  }
0x70: {  	_ =	shalt  }
0x71: {  	_ =	shalt  }
0x72: {  	_ =	shalt  }
0x73: {  	_ =	shalt  }
0x74: {  	_ =	shalt  }
0x75: {  	_ =	shalt  }
0x76: {  	_ =	shalt  }
0x77: {  	_ =	shalt  }
0x78: {  	_ =	shalt  }
0x79: {  	_ =	shalt  }
0x7a: {  	_ =	shalt  }
0x7b: {  	_ =	shalt  }
0x7c: {  	_ =	shalt  }
0x7d: {  	_ =	shalt  }
0x7e: {  	_ =	shalt  }
0x7f: {  	_ =	shalt  }
0x80: {  	_ =	shalt  }
0x81: {  	_ =	shalt  }
0x82: {  	_ =	shalt  }
0x83: {  	_ =	shalt  }
0x84: {  	_ =	shalt  }
0x85: {  	_ =	shalt  }
0x86: {  	_ =	shalt  }
0x87: {  	_ =	shalt  }
.Lfunc_end0:
.L_simem_size_0:
called_computation.1_lowered:
.L_overlay_start_0:
0x88: {  	s2 =	sld [smem:$0x3FD9]  }
0x89: {  	s3 =	sld [smem:$0x3FFE];
	_ =	sdelay $0x1  }
0x8a: {  	s1 =	srdreg.scid  }
0x8b: {  	s0 =	sand.u32 $0x1, s1  }
0x8c: {  	s17 =	sshll.u32 s0, $0xA;
	s2 =	sadd.s32 s3, s2  }
0x8d: {  	s2 =	sadd.s32 s2, s17  }
0x8e: {  	[smem:$0x3FC6] =	sst s2  }
0x8f: {  	_ = 	snop  }
0x90: {  	s2 =	sld [smem:$0x3FC8]  }
0x91: {  	s18 =	sld [smem:$0x3FD0];
	(tm) =	ssettm $0x1  }
0x92: {  	s4 =	sld [smem:$0x3FFB];
	_ =	sdelay $0x3  }
0x93: {  	_ =	strace s4  }
0x94: {  	s4 =	sld [smem:$0x3FFC];
	_ =	sdelay $0x3  }
0x95: {  	_ =	strace s4  }
0x96: {  	s4 =	sld [smem:$0x3FFD];
	_ =	sdelay $0x3  }
0x97: {  	_ =	strace s4  }
0x98: {  	_ =	strace $0x8FFFFFFF  }
0x99: {  	s19 =	sld [smem:$0x3FDB];
	_ =	sdelay $0x1  }
0x9a: {  	s5 =	simm.s32 $_scs_section_size  }
0x9b: {  	s6 =	simm.s32 $_size__tile_overlayer_lowered;
	s7 =	simm.s32 $_tile_overlayer_lowered  }
0x9c: {  	s22 =	simm.s32 $0x1BFF;
	s21 =	sshll.u32 s7, $0x1;
	s4 =	sadd.s32 s5, s19  }
0x9d: {  	s8 =	simm.s32 $0x0;
	s20 =	sshll.u32 s6, $0x1;
	s6 =	sadd.s32 s21, s4  }
0x9e: {  	[timem:s8], [sflag:s22] =	dma.local [hbm:s6], s20  }
0x9f: {  	_ =	swait.ge [sflag:s22], s20  }
0xa0: {  	s5 =	ssub.s32 $0x0, s20;
	[sflag:s22] =	ssyncset.done $0x0  }
0xa1: {  	[sflag:s22] =	ssyncadd.s32 s5;
	_ =	sdelay $0x1  }
0xa2: {  	s23 =	simm.s32 $0x1B8B  }
0xa3: {  	_ =	swait.ge [sflag:s23], $0x1  }
0xa4: {  	[sflag:s23] =	ssyncset.done $0x0  }
0xa5: {  	s25 =	simm.s32 $0x1B8E;
	s24 =	sld [smem:$0x3FFE];
	[sflag:s23] =	ssyncadd.s32 $0xFFFFFFFF  }
0xa6: {  	s26 =	simm.s32 $execute0_lowered;
	[smem:$0x3FD2] =	sst s25  }
0xa7: {  	s6 =	sshll.u32 s26, $0x1;
	_ =	strace $0x80000049;
	[dreg:$0x1] =	wrdreg $0xFFFFFFFF  }
0xa8: {  	s28 =	simm.s32 $_size_execute0_lowered;
	s4 =	sadd.s32 s4, s6;
	[dreg:$0x0] =	wrdreg $0x0  }
0xa9: {  	s6 =	sshll.u32 s28, $0x1;
	[dreg:$0x2] =	wrdreg s4  }
0xaa: {  	[dreg:$0x3] =	wrdreg s6  }
0xab: {  	[dreg:$0x4] =	wrdreg $0xC0  }
0xac: {  	_ =	task [dreg:s8], $0x5FFFF  }
0xad: {  	[dreg:$0x1] =	wrdreg $0xFFFFFFFF  }
0xae: {  	[dreg:$0x0] =	wrdreg $0x60  }
0xaf: {  	[dreg:$0x2] =	wrdreg s18  }
0xb0: {  	[dreg:$0x3] =	wrdreg s2  }
0xb1: {  	[dreg:$0x4] =	wrdreg s24  }
0xb2: {  	[dreg:$0x5] =	wrdreg $0x9  }
0xb3: {  	_ =	task.clear_ibuf [dreg:s8], $0x6FFFF;
	_ =	strace $0x90000049  }
0xb4: {  	s29 =	simm.s32 $0x9;
	_ =	strace $0x8000004B  }
0xb5: {  	_ =	swait.ge [sflag:s29], $0x1  }
0xb6: {  	[sflag:s29] =	ssyncadd.s32 $0xFFFFFFFF  }
0xb7: {  	_ =	strace $0x9000004B  }
0xb8: {  	_ =	sfence  }
0xb9: {  	s30 =	sld [smem:$0x0];
	_ =	sdelay $0x2  }
0xba: {  	s31 =	sshll.u32 s1, $0xD;
	s1 =	sshrl.u32 s1, $0x2  }
0xbb: {  	s3 =	sand.u32 $0x4000, s31;
	s1 =	sadd.s32 s1, s30  }
0xbc: {  	s0 =	sor.u32 s3, s0;
	s1 =	sshll.u32 s1, $0x11  }
0xbd: {  	s0 =	sor.u32 s1, s0  }
0xbe: {  	s0 =	sadd.s32 $0x8F2B, s0  }
0xbf: {  	[sflag:s0] =	ssyncadd.remote.s32 $0x1  }
0xc0: {  	_ =	sfence.sel $0xFFFF  }
0xc1: {  	[dreg:$0x0] =	wrdreg $0xFFFFFFFF;
	(pc) =	sbr.abs _section_cstart, $3  }
0xc2: {  	[dreg:$0x1] =	wrdreg $0xFFFFFFFF  }
0xc3: {  	_ =	task.clear_ibuf [dreg:s8], $0x2FFFF;
	_ =	strace $0x9FFFFFFF  }
0xc4: {  	(tm) =	ssettm $0x7FFFFFFF  }
0xc5: {  	_ =	shalt  }
tec
execute0_lowered:
.L_overlay_start_1:
0x0: {  	(tag) =	ssettag $0x1  }
0x1: {  	s1 =	rddreg [dreg:$0x0]  }
0x2: {  	s3 =	rddreg [dreg:$0x1]  }
0x3: {  	s6 =	rddreg [dreg:$0x2]  }
0x4: {  	s4 =	srdreg.scid;
	s0 =	rddreg [dreg:$0x3]  }
0x5: {  	s2 =	stileid.u32;
	s10 =	simm.s32 $0x10000;
	s11 =	simm.s32 $0x5  }
0x6: {  	s12 =	simm.s32 $0x4000;
	s13 =	simm.s32 $0x1;
	s14 =	simm.s32 $0x8000  }
0x7: {  	s15 =	simm.s32 $0x2;
	s16 =	simm.s32 $0x4;
	s17 =	simm.s32 $0xC000  }
0x8: {  	s18 =	simm.s32 $0x3;
	s19 =	simm.s32 $0x0;
	s5 =	sand.u32 $0x1, s4  }
.Ltmp0:
0x9: {  	s7 =	sshll.u32 s2, $0x14;
	s8 =	sshll.u32 s5, $0x13;
	(pc) =	sbr.rel .LBB2_1-.Ltmp0, $4  }
0xa: {  	s4 =	simm.s32 $0x0;
	s9 =	ssub.s32 $0x2, s5;
	s5 =	sor.u32 s8, s7  }
0xb: {  	s6 =	sadd.s32 $0x800, s6;
	s31 =	sshrl.u32 s9, $0x1;
	s8 =	sshrl.u32 s5, $0x3  }
0xc: {  	[smem:$0x7FF] =	sst s4;
	s9 =	ssub.s32 s9, s31;
	s7 =	sadd.s32 s1, s8  }
0xd: {  	_ =	strace $0x8000004A;
	s9 =	smax.u32 s9, $0x1;
	s8 =	sadd.s32 $0x800, s7  }
.LBB2_12:
0xe: {  	s19 =	sadd.s32 $0x1, s19  }
0xf: {  	_ =	swait.ge [sflag:s18], $0x4000;
	p0 =	sne.s32 s19, s9  }
.Ltmp1:
0x10: {  	[sflag:s18] =	ssyncset.done $0x0;
	(pc) =	sbr.rel @!p0 .LBB2_13-.Ltmp1, $4  }
0x11: {  	[sflag:s18] =	ssyncadd.s32 $0xFFFFC000  }
0x12: {  	_ =	swait.ge [sflag:s16], $0x4000  }
0x13: {  	[sflag:s16] =	ssyncset.done $0x0  }
0x14: {  	[sflag:s16] =	ssyncadd.s32 $0xFFFFC000  }
.LBB2_1:
0x15: {  	[tilespmem:s10], [sflag:$0x5] =	stream.linear.gather [hbm4b:s3+s4], $0x80, $0x38;
	[tilespmem:$0x10080] =	vst v63  }
0x16: {  	_ =	swait.ge [sflag:s11], $0x80  }
0x17: {  	[sflag:s11] =	ssyncset.done $0x0  }
0x18: {  	[sflag:s11] =	ssyncadd.s32 $0xFFFFFF80  }
0x19: {  	v0 =	vld [tilespmem:$0x10000]  }
0x1a: {  	v1 =	vld [tilespmem:$0x10010]  }
0x1b: {  	v2 =	vld [tilespmem:$0x10020]  }
0x1c: {  	v3 =	vld [tilespmem:$0x10030];
	[tilespmem:s4], [sflag:$0x1] =	stream.linear.gather [hbm4b:s7+s4], $0x4000, $0x38  }
0x1d: {  	s20 =	simm.s32 $0x0  }
0x1e: {  	[tilespmem:s12], [sflag:$0x2] =	stream.linear.gather [hbm4b:s8+s4], $0x4000, $0x38;
	[tilespmem:$0x10080] =	vst v63  }
.LBB2_2:
0x1f: {  	_ =	swait.ge [sflag:s13], $0x4000;
	s22 =	simm.s32 $0x0  }
0x20: {  	p0 =	seq.s32 s20, $0x0;
	[sflag:s13] =	ssyncset.done $0x0;
	v4 =	vadd.s32 s22, v0  }
0x21: {  	s21 =	simm.s32 @!p0 $0x3;
	[sflag:s13] =	ssyncadd.s32 $0xFFFFC000  }
0x22: {  	_ =	swait.ge @!p0 [sflag:s21], $0x4000  }
0x23: {  	[sflag:s21] =	ssyncset.done @!p0 $0x0  }
0x24: {  	[sflag:s21] =	ssyncadd.s32 @!p0 $0xFFFFC000  }
0x25: {  	v4 =	vld.idx.msk [tilespmem:v4+s4+$0x0], $0xffff  }
0x26: {  	v5 =	vadd.s32 s22, v1;
	_ =	sdelay $0x2  }
0x27: {  	s21 =	simm.s32 $0x8080  }
0x28: {  	[tilespmem:s21+$0xFFFFFF80] =	vst v4  }
0x29: {  	v4 =	vld.idx.msk [tilespmem:v5+s4+$0x0], $0xffff  }
0x2a: {  	v5 =	vadd.s32 s22, v2;
	_ =	sdelay $0x3  }
0x2b: {  	[tilespmem:s21+$0xFFFFFF90] =	vst v4  }
0x2c: {  	v4 =	vld.idx.msk [tilespmem:v5+s4+$0x0], $0xffff  }
0x2d: {  	v5 =	vadd.s32 s22, v3;
	_ =	sdelay $0x3  }
0x2e: {  	[tilespmem:s21+$0xFFFFFFA0] =	vst v4  }
0x2f: {  	s28 =	simm.s32 $0x40;
	v4 =	vld.idx.msk [tilespmem:v5+s4+$0x0], $0xffff  }
0x30: {  	v5 =	vadd.s32 s28, v0;
	_ =	sdelay $0x3  }
0x31: {  	[tilespmem:s21+$0xFFFFFFB0] =	vst v4  }
0x32: {  	v4 =	vld.idx.msk [tilespmem:v5+s4+$0x0], $0xffff  }
0x33: {  	v5 =	vadd.s32 s28, v1;
	_ =	sdelay $0x3  }
0x34: {  	[tilespmem:s21+$0xFFFFFFC0] =	vst v4  }
0x35: {  	v4 =	vld.idx.msk [tilespmem:v5+s4+$0x0], $0xffff  }
0x36: {  	v5 =	vadd.s32 s28, v2;
	_ =	sdelay $0x3  }
0x37: {  	[tilespmem:s21+$0xFFFFFFD0] =	vst v4  }
0x38: {  	v4 =	vld.idx.msk [tilespmem:v5+s4+$0x0], $0xffff  }
0x39: {  	v5 =	vadd.s32 s28, v3;
	_ =	sdelay $0x3  }
0x3a: {  	[tilespmem:s21+$0xFFFFFFE0] =	vst v4  }
0x3b: {  	s29 =	simm.s32 $0x80;
	v4 =	vld.idx.msk [tilespmem:v5+s4+$0x0], $0xffff  }
0x3c: {  	v5 =	vadd.s32 s29, v0;
	_ =	sdelay $0x3  }
0x3d: {  	[tilespmem:s21+$0xFFFFFFF0] =	vst v4  }
0x3e: {  	v4 =	vld.idx.msk [tilespmem:v5+s4+$0x0], $0xffff  }
0x3f: {  	v5 =	vadd.s32 s29, v1;
	_ =	sdelay $0x3  }
0x40: {  	[tilespmem:s21+$0x0] =	vst v4  }
0x41: {  	v4 =	vld.idx.msk [tilespmem:v5+s4+$0x0], $0xffff  }
0x42: {  	v5 =	vadd.s32 s29, v2;
	_ =	sdelay $0x3  }
0x43: {  	[tilespmem:s21+$0x10] =	vst v4  }
0x44: {  	v4 =	vld.idx.msk [tilespmem:v5+s4+$0x0], $0xffff  }
0x45: {  	v5 =	vadd.s32 s29, v3;
	_ =	sdelay $0x3  }
0x46: {  	[tilespmem:s21+$0x20] =	vst v4  }
0x47: {  	s30 =	simm.s32 $0xC0;
	v4 =	vld.idx.msk [tilespmem:v5+s4+$0x0], $0xffff  }
0x48: {  	v5 =	vadd.s32 s30, v0;
	_ =	sdelay $0x3  }
0x49: {  	[tilespmem:s21+$0x30] =	vst v4  }
0x4a: {  	v4 =	vld.idx.msk [tilespmem:v5+s4+$0x0], $0xffff  }
0x4b: {  	v5 =	vadd.s32 s30, v1;
	_ =	sdelay $0x3  }
0x4c: {  	[tilespmem:s21+$0x40] =	vst v4  }
0x4d: {  	v4 =	vld.idx.msk [tilespmem:v5+s4+$0x0], $0xffff  }
0x4e: {  	v5 =	vadd.s32 s30, v2;
	_ =	sdelay $0x3  }
0x4f: {  	[tilespmem:s21+$0x50] =	vst v4  }
0x50: {  	v4 =	vld.idx.msk [tilespmem:v5+s4+$0x0], $0xffff  }
0x51: {  	v5 =	vadd.s32 s30, v3;
	_ =	sdelay $0x3  }
0x52: {  	[tilespmem:s21+$0x60] =	vst v4  }
0x53: {  	s31 =	sshll.u32 s20, $0xF;
	s23 =	simm.s32 $0x100;
	v4 =	vld.idx.msk [tilespmem:v5+s4+$0x0], $0xffff  }
0x54: {  	s24 =	simm.s32 $0x200;
	s22 =	sor.u32 s5, s31;
	v5 =	vadd.s32 s23, v0  }
.LBB2_3:
0x55: {  	p1 =	sne.s32 s24, $0x3F00;
	_ =	sdelay $0x2  }
0x56: {  	[tilespmem:s21+$0x70] =	vst v4  }
0x57: {  	v4 =	vld.idx.msk [tilespmem:v5+s4+$0x0], $0xffff;
	_ =	sdelay $0x1  }
0x58: {  	v5 =	vadd.s32 s23, v1;
	_ =	sdelay $0x2  }
0x59: {  	s21 =	sadd.s32 $0x100, s21  }
0x5a: {  	[tilespmem:s21+$0xFFFFFF80] =	vst v4  }
0x5b: {  	v4 =	vld.idx.msk [tilespmem:v5+s4+$0x0], $0xffff;
	_ =	sdelay $0x1  }
0x5c: {  	v5 =	vadd.s32 s23, v2;
	_ =	sdelay $0x3  }
0x5d: {  	[tilespmem:s21+$0xFFFFFF90] =	vst v4  }
0x5e: {  	v4 =	vld.idx.msk [tilespmem:v5+s4+$0x0], $0xffff;
	_ =	sdelay $0x1  }
0x5f: {  	v5 =	vadd.s32 s23, v3;
	_ =	sdelay $0x3  }
0x60: {  	[tilespmem:s21+$0xFFFFFFA0] =	vst v4  }
0x61: {  	v4 =	vld.idx.msk [tilespmem:v5+s4+$0x0], $0xffff  }
0x62: {  	s25 =	sadd.s32 $0x40, s23  }
0x63: {  	v5 =	vadd.s32 s25, v0;
	_ =	sdelay $0x3  }
0x64: {  	[tilespmem:s21+$0xFFFFFFB0] =	vst v4  }
0x65: {  	v4 =	vld.idx.msk [tilespmem:v5+s4+$0x0], $0xffff;
	_ =	sdelay $0x1  }
0x66: {  	v5 =	vadd.s32 s25, v1;
	_ =	sdelay $0x3  }
0x67: {  	[tilespmem:s21+$0xFFFFFFC0] =	vst v4  }
0x68: {  	v4 =	vld.idx.msk [tilespmem:v5+s4+$0x0], $0xffff;
	_ =	sdelay $0x1  }
0x69: {  	v5 =	vadd.s32 s25, v2;
	_ =	sdelay $0x3  }
0x6a: {  	[tilespmem:s21+$0xFFFFFFD0] =	vst v4  }
0x6b: {  	v4 =	vld.idx.msk [tilespmem:v5+s4+$0x0], $0xffff;
	_ =	sdelay $0x1  }
0x6c: {  	v5 =	vadd.s32 s25, v3;
	_ =	sdelay $0x3  }
0x6d: {  	[tilespmem:s21+$0xFFFFFFE0] =	vst v4  }
0x6e: {  	v4 =	vld.idx.msk [tilespmem:v5+s4+$0x0], $0xffff  }
0x6f: {  	s25 =	sadd.s32 $0x80, s23  }
0x70: {  	v5 =	vadd.s32 s25, v0;
	_ =	sdelay $0x3  }
0x71: {  	[tilespmem:s21+$0xFFFFFFF0] =	vst v4  }
0x72: {  	v4 =	vld.idx.msk [tilespmem:v5+s4+$0x0], $0xffff;
	_ =	sdelay $0x1  }
0x73: {  	v5 =	vadd.s32 s25, v1;
	_ =	sdelay $0x3  }
0x74: {  	[tilespmem:s21+$0x0] =	vst v4  }
0x75: {  	v4 =	vld.idx.msk [tilespmem:v5+s4+$0x0], $0xffff;
	_ =	sdelay $0x1  }
0x76: {  	v5 =	vadd.s32 s25, v2;
	_ =	sdelay $0x3  }
0x77: {  	[tilespmem:s21+$0x10] =	vst v4  }
0x78: {  	v4 =	vld.idx.msk [tilespmem:v5+s4+$0x0], $0xffff;
	_ =	sdelay $0x1  }
0x79: {  	v5 =	vadd.s32 s25, v3;
	_ =	sdelay $0x3  }
0x7a: {  	[tilespmem:s21+$0x20] =	vst v4  }
0x7b: {  	v4 =	vld.idx.msk [tilespmem:v5+s4+$0x0], $0xffff  }
0x7c: {  	s25 =	sadd.s32 $0xC0, s23;
	s23 =	smov.u32 s24  }
0x7d: {  	v5 =	vadd.s32 s25, v0;
	_ =	sdelay $0x3  }
0x7e: {  	[tilespmem:s21+$0x30] =	vst v4  }
0x7f: {  	v4 =	vld.idx.msk [tilespmem:v5+s4+$0x0], $0xffff;
	_ =	sdelay $0x1  }
0x80: {  	v5 =	vadd.s32 s25, v1;
	_ =	sdelay $0x3  }
0x81: {  	[tilespmem:s21+$0x40] =	vst v4  }
0x82: {  	v4 =	vld.idx.msk [tilespmem:v5+s4+$0x0], $0xffff;
	_ =	sdelay $0x1  }
0x83: {  	v5 =	vadd.s32 s25, v2;
	_ =	sdelay $0x3  }
0x84: {  	[tilespmem:s21+$0x50] =	vst v4  }
0x85: {  	v4 =	vld.idx.msk [tilespmem:v5+s4+$0x0], $0xffff;
	_ =	sdelay $0x1  }
0x86: {  	v5 =	vadd.s32 s25, v3;
	_ =	sdelay $0x2  }
.Ltmp2:
0x87: {  	(pc) =	sbr.rel @p1 .LBB2_3-.Ltmp2, $3  }
0x88: {  	[tilespmem:s21+$0x60] =	vst v4  }
0x89: {  	v4 =	vld.idx.msk [tilespmem:v5+s4+$0x0], $0xffff;
	_ =	sdelay $0x1  }
0x8a: {  	s24 =	sadd.s32 $0x100, s24;
	v5 =	vadd.s32 s23, v0  }
0x8b: {  	_ =	sdelay $0x2  }
0x8c: {  	[tilespmem:s21+$0x70] =	vst v4  }
0x8d: {  	v4 =	vld.idx.msk [tilespmem:v5+s4+$0x0], $0xffff  }
0x8e: {  	v5 =	vadd.s32 s23, v1;
	_ =	sdelay $0x2  }
0x8f: {  	s24 =	sadd.s32 $0x100, s21  }
0x90: {  	[tilespmem:s24+$0xFFFFFF80] =	vst v4  }
0x91: {  	v4 =	vld.idx.msk [tilespmem:v5+s4+$0x0], $0xffff  }
0x92: {  	v5 =	vadd.s32 s23, v2;
	_ =	sdelay $0x3  }
0x93: {  	[tilespmem:s24+$0xFFFFFF90] =	vst v4  }
0x94: {  	v4 =	vld.idx.msk [tilespmem:v5+s4+$0x0], $0xffff  }
0x95: {  	v5 =	vadd.s32 s23, v3;
	_ =	sdelay $0x3  }
0x96: {  	[tilespmem:s24+$0xFFFFFFA0] =	vst v4  }
0x97: {  	s29 =	sadd.s32 $0x40, s23;
	v4 =	vld.idx.msk [tilespmem:v5+s4+$0x0], $0xffff  }
0x98: {  	v5 =	vadd.s32 s29, v0;
	_ =	sdelay $0x3  }
0x99: {  	[tilespmem:s24+$0xFFFFFFB0] =	vst v4  }
0x9a: {  	v4 =	vld.idx.msk [tilespmem:v5+s4+$0x0], $0xffff  }
0x9b: {  	v5 =	vadd.s32 s29, v1;
	_ =	sdelay $0x3  }
0x9c: {  	[tilespmem:s24+$0xFFFFFFC0] =	vst v4  }
0x9d: {  	v4 =	vld.idx.msk [tilespmem:v5+s4+$0x0], $0xffff  }
0x9e: {  	v5 =	vadd.s32 s29, v2;
	_ =	sdelay $0x3  }
0x9f: {  	[tilespmem:s24+$0xFFFFFFD0] =	vst v4  }
0xa0: {  	v4 =	vld.idx.msk [tilespmem:v5+s4+$0x0], $0xffff  }
0xa1: {  	v5 =	vadd.s32 s29, v3;
	_ =	sdelay $0x3  }
0xa2: {  	[tilespmem:s24+$0xFFFFFFE0] =	vst v4  }
0xa3: {  	s30 =	sadd.s32 $0x80, s23;
	v4 =	vld.idx.msk [tilespmem:v5+s4+$0x0], $0xffff  }
0xa4: {  	v5 =	vadd.s32 s30, v0;
	_ =	sdelay $0x3  }
0xa5: {  	[tilespmem:s24+$0xFFFFFFF0] =	vst v4  }
0xa6: {  	v4 =	vld.idx.msk [tilespmem:v5+s4+$0x0], $0xffff  }
0xa7: {  	v5 =	vadd.s32 s30, v1;
	_ =	sdelay $0x3  }
0xa8: {  	[tilespmem:s24+$0x0] =	vst v4  }
0xa9: {  	v4 =	vld.idx.msk [tilespmem:v5+s4+$0x0], $0xffff  }
0xaa: {  	v5 =	vadd.s32 s30, v2;
	_ =	sdelay $0x3  }
0xab: {  	[tilespmem:s24+$0x10] =	vst v4  }
0xac: {  	v4 =	vld.idx.msk [tilespmem:v5+s4+$0x0], $0xffff  }
0xad: {  	v5 =	vadd.s32 s30, v3;
	_ =	sdelay $0x3  }
0xae: {  	[tilespmem:s24+$0x20] =	vst v4  }
0xaf: {  	s31 =	sadd.s32 $0xC0, s23;
	v4 =	vld.idx.msk [tilespmem:v5+s4+$0x0], $0xffff  }
0xb0: {  	v5 =	vadd.s32 s31, v0;
	_ =	sdelay $0x3  }
0xb1: {  	[tilespmem:s24+$0x30] =	vst v4  }
0xb2: {  	v4 =	vld.idx.msk [tilespmem:v5+s4+$0x0], $0xffff  }
0xb3: {  	v5 =	vadd.s32 s31, v1;
	_ =	sdelay $0x3  }
0xb4: {  	[tilespmem:s24+$0x40] =	vst v4  }
0xb5: {  	v4 =	vld.idx.msk [tilespmem:v5+s4+$0x0], $0xffff  }
0xb6: {  	v5 =	vadd.s32 s31, v2;
	_ =	sdelay $0x3  }
0xb7: {  	[tilespmem:s24+$0x50] =	vst v4  }
0xb8: {  	v4 =	vld.idx.msk [tilespmem:v5+s4+$0x0], $0xffff  }
0xb9: {  	v5 =	vadd.s32 s31, v3;
	_ =	sdelay $0x3  }
0xba: {  	[tilespmem:s24+$0x60] =	vst v4  }
0xbb: {  	v4 =	vld.idx.msk [tilespmem:v5+s4+$0x0], $0xffff  }
0xbc: {  	p1 =	sne.s32 s20, $0xF  }
.Ltmp3:
0xbd: {  	_ = 	snop;
	(pc) =	sbr.rel @p1 .LBB2_6-.Ltmp3, $4  }
0xbe: {  	_ = 	snop  }
0xbf: {  	s21 =	sshrl.u32 s22, $0x3  }
0xc0: {  	s22 =	sadd.s32 s6, s21;
	[tilespmem:s24+$0x70] =	vst v4  }
0xc1: {  	[hbm4b:s22+s4] =	stream.linear.scatter [tilespmem:s14], [sflag:$0x3], $0x4000, $0x38;
	[tilespmem:$0x10080] =	vst v63  }
.Ltmp4:
0xc2: {  	(pc) =	sbr.rel .LBB2_7-.Ltmp4, $4  }
0xc3: {  	_ = 	snop  }
0xc4: {  	_ =	swait.ge [sflag:s15], $0x4000  }
0xc5: {  	[sflag:s15] =	ssyncset.done $0x0  }
0xc6: {  	[sflag:s15] =	ssyncadd.s32 $0xFFFFC000  }
.LBB2_6:
0xc7: {  	s22 =	sadd.s32 s1, s21  }
.Ltmp5:
0xc8: {  	s22 =	sadd.s32 $0x1000, s22;
	(pc) =	sbr.rel @p0 .LBB2_8-.Ltmp5, $4  }
0xc9: {  	[tilespmem:s4], [sflag:$0x1] =	stream.linear.gather [hbm4b:s22+s4], $0x4000, $0x38;
	[tilespmem:$0x10080] =	vst v63  }
0xca: {  	_ =	swait.ge [sflag:s15], $0x4000  }
0xcb: {  	[sflag:s15] =	ssyncset.done $0x0  }
0xcc: {  	[sflag:s15] =	ssyncadd.s32 $0xFFFFC000  }
.LBB2_7:
0xcd: {  	_ =	swait.ge [sflag:s16], $0x4000  }
0xce: {  	[sflag:s16] =	ssyncset.done $0x0  }
0xcf: {  	[sflag:s16] =	ssyncadd.s32 $0xFFFFC000  }
.LBB2_8:
0xd0: {  	s23 =	simm.s32 $0x0  }
0xd1: {  	v4 =	vadd.s32 s23, v0;
	_ =	sdelay $0x4  }
0xd2: {  	v4 =	vld.idx.msk [tilespmem:v4+s12+$0x0], $0xffff  }
0xd3: {  	v5 =	vadd.s32 s23, v1;
	_ =	sdelay $0x2  }
0xd4: {  	s22 =	simm.s32 $0xC080  }
0xd5: {  	[tilespmem:s22+$0xFFFFFF80] =	vst v4  }
0xd6: {  	v4 =	vld.idx.msk [tilespmem:v5+s12+$0x0], $0xffff  }
0xd7: {  	v5 =	vadd.s32 s23, v2;
	_ =	sdelay $0x3  }
0xd8: {  	[tilespmem:s22+$0xFFFFFF90] =	vst v4  }
0xd9: {  	v4 =	vld.idx.msk [tilespmem:v5+s12+$0x0], $0xffff  }
0xda: {  	v5 =	vadd.s32 s23, v3;
	_ =	sdelay $0x3  }
0xdb: {  	[tilespmem:s22+$0xFFFFFFA0] =	vst v4  }
0xdc: {  	s29 =	simm.s32 $0x40;
	v4 =	vld.idx.msk [tilespmem:v5+s12+$0x0], $0xffff  }
0xdd: {  	v5 =	vadd.s32 s29, v0;
	_ =	sdelay $0x3  }
0xde: {  	[tilespmem:s22+$0xFFFFFFB0] =	vst v4  }
0xdf: {  	v4 =	vld.idx.msk [tilespmem:v5+s12+$0x0], $0xffff  }
0xe0: {  	v5 =	vadd.s32 s29, v1;
	_ =	sdelay $0x3  }
0xe1: {  	[tilespmem:s22+$0xFFFFFFC0] =	vst v4  }
0xe2: {  	v4 =	vld.idx.msk [tilespmem:v5+s12+$0x0], $0xffff  }
0xe3: {  	v5 =	vadd.s32 s29, v2;
	_ =	sdelay $0x3  }
0xe4: {  	[tilespmem:s22+$0xFFFFFFD0] =	vst v4  }
0xe5: {  	v4 =	vld.idx.msk [tilespmem:v5+s12+$0x0], $0xffff  }
0xe6: {  	v5 =	vadd.s32 s29, v3;
	_ =	sdelay $0x3  }
0xe7: {  	[tilespmem:s22+$0xFFFFFFE0] =	vst v4  }
0xe8: {  	s30 =	simm.s32 $0x80;
	v4 =	vld.idx.msk [tilespmem:v5+s12+$0x0], $0xffff  }
0xe9: {  	v5 =	vadd.s32 s30, v0;
	_ =	sdelay $0x3  }
0xea: {  	[tilespmem:s22+$0xFFFFFFF0] =	vst v4  }
0xeb: {  	v4 =	vld.idx.msk [tilespmem:v5+s12+$0x0], $0xffff  }
0xec: {  	v5 =	vadd.s32 s30, v1;
	_ =	sdelay $0x3  }
0xed: {  	[tilespmem:s22+$0x0] =	vst v4  }
0xee: {  	v4 =	vld.idx.msk [tilespmem:v5+s12+$0x0], $0xffff  }
0xef: {  	v5 =	vadd.s32 s30, v2;
	_ =	sdelay $0x3  }
0xf0: {  	[tilespmem:s22+$0x10] =	vst v4  }
0xf1: {  	v4 =	vld.idx.msk [tilespmem:v5+s12+$0x0], $0xffff  }
0xf2: {  	v5 =	vadd.s32 s30, v3;
	_ =	sdelay $0x3  }
0xf3: {  	[tilespmem:s22+$0x20] =	vst v4  }
0xf4: {  	s31 =	simm.s32 $0xC0;
	v4 =	vld.idx.msk [tilespmem:v5+s12+$0x0], $0xffff  }
0xf5: {  	v5 =	vadd.s32 s31, v0;
	_ =	sdelay $0x3  }
0xf6: {  	[tilespmem:s22+$0x30] =	vst v4  }
0xf7: {  	v4 =	vld.idx.msk [tilespmem:v5+s12+$0x0], $0xffff  }
0xf8: {  	v5 =	vadd.s32 s31, v1;
	_ =	sdelay $0x3  }
0xf9: {  	[tilespmem:s22+$0x40] =	vst v4  }
0xfa: {  	v4 =	vld.idx.msk [tilespmem:v5+s12+$0x0], $0xffff  }
0xfb: {  	v5 =	vadd.s32 s31, v2;
	_ =	sdelay $0x3  }
0xfc: {  	[tilespmem:s22+$0x50] =	vst v4  }
0xfd: {  	v4 =	vld.idx.msk [tilespmem:v5+s12+$0x0], $0xffff  }
0xfe: {  	v5 =	vadd.s32 s31, v3;
	_ =	sdelay $0x3  }
0xff: {  	[tilespmem:s22+$0x60] =	vst v4  }
0x100: {  	s23 =	simm.s32 $0x100;
	v4 =	vld.idx.msk [tilespmem:v5+s12+$0x0], $0xffff  }
0x101: {  	s24 =	simm.s32 $0x200;
	v5 =	vadd.s32 s23, v0  }
.LBB2_9:
0x102: {  	p0 =	sne.s32 s24, $0x3F00;
	_ =	sdelay $0x2  }
0x103: {  	[tilespmem:s22+$0x70] =	vst v4  }
0x104: {  	v4 =	vld.idx.msk [tilespmem:v5+s12+$0x0], $0xffff;
	_ =	sdelay $0x1  }
0x105: {  	v5 =	vadd.s32 s23, v1;
	_ =	sdelay $0x2  }
0x106: {  	s22 =	sadd.s32 $0x100, s22  }
0x107: {  	[tilespmem:s22+$0xFFFFFF80] =	vst v4  }
0x108: {  	v4 =	vld.idx.msk [tilespmem:v5+s12+$0x0], $0xffff;
	_ =	sdelay $0x1  }
0x109: {  	v5 =	vadd.s32 s23, v2;
	_ =	sdelay $0x3  }
0x10a: {  	[tilespmem:s22+$0xFFFFFF90] =	vst v4  }
0x10b: {  	v4 =	vld.idx.msk [tilespmem:v5+s12+$0x0], $0xffff;
	_ =	sdelay $0x1  }
0x10c: {  	v5 =	vadd.s32 s23, v3;
	_ =	sdelay $0x3  }
0x10d: {  	[tilespmem:s22+$0xFFFFFFA0] =	vst v4  }
0x10e: {  	v4 =	vld.idx.msk [tilespmem:v5+s12+$0x0], $0xffff  }
0x10f: {  	s25 =	sadd.s32 $0x40, s23  }
0x110: {  	v5 =	vadd.s32 s25, v0;
	_ =	sdelay $0x3  }
0x111: {  	[tilespmem:s22+$0xFFFFFFB0] =	vst v4  }
0x112: {  	v4 =	vld.idx.msk [tilespmem:v5+s12+$0x0], $0xffff;
	_ =	sdelay $0x1  }
0x113: {  	v5 =	vadd.s32 s25, v1;
	_ =	sdelay $0x3  }
0x114: {  	[tilespmem:s22+$0xFFFFFFC0] =	vst v4  }
0x115: {  	v4 =	vld.idx.msk [tilespmem:v5+s12+$0x0], $0xffff;
	_ =	sdelay $0x1  }
0x116: {  	v5 =	vadd.s32 s25, v2;
	_ =	sdelay $0x3  }
0x117: {  	[tilespmem:s22+$0xFFFFFFD0] =	vst v4  }
0x118: {  	v4 =	vld.idx.msk [tilespmem:v5+s12+$0x0], $0xffff;
	_ =	sdelay $0x1  }
0x119: {  	v5 =	vadd.s32 s25, v3;
	_ =	sdelay $0x3  }
0x11a: {  	[tilespmem:s22+$0xFFFFFFE0] =	vst v4  }
0x11b: {  	v4 =	vld.idx.msk [tilespmem:v5+s12+$0x0], $0xffff  }
0x11c: {  	s25 =	sadd.s32 $0x80, s23  }
0x11d: {  	v5 =	vadd.s32 s25, v0;
	_ =	sdelay $0x3  }
0x11e: {  	[tilespmem:s22+$0xFFFFFFF0] =	vst v4  }
0x11f: {  	v4 =	vld.idx.msk [tilespmem:v5+s12+$0x0], $0xffff;
	_ =	sdelay $0x1  }
0x120: {  	v5 =	vadd.s32 s25, v1;
	_ =	sdelay $0x3  }
0x121: {  	[tilespmem:s22+$0x0] =	vst v4  }
0x122: {  	v4 =	vld.idx.msk [tilespmem:v5+s12+$0x0], $0xffff;
	_ =	sdelay $0x1  }
0x123: {  	v5 =	vadd.s32 s25, v2;
	_ =	sdelay $0x3  }
0x124: {  	[tilespmem:s22+$0x10] =	vst v4  }
0x125: {  	v4 =	vld.idx.msk [tilespmem:v5+s12+$0x0], $0xffff;
	_ =	sdelay $0x1  }
0x126: {  	v5 =	vadd.s32 s25, v3;
	_ =	sdelay $0x3  }
0x127: {  	[tilespmem:s22+$0x20] =	vst v4  }
0x128: {  	v4 =	vld.idx.msk [tilespmem:v5+s12+$0x0], $0xffff  }
0x129: {  	s25 =	sadd.s32 $0xC0, s23;
	s23 =	smov.u32 s24  }
0x12a: {  	v5 =	vadd.s32 s25, v0;
	_ =	sdelay $0x3  }
0x12b: {  	[tilespmem:s22+$0x30] =	vst v4  }
0x12c: {  	v4 =	vld.idx.msk [tilespmem:v5+s12+$0x0], $0xffff;
	_ =	sdelay $0x1  }
0x12d: {  	v5 =	vadd.s32 s25, v1;
	_ =	sdelay $0x3  }
0x12e: {  	[tilespmem:s22+$0x40] =	vst v4  }
0x12f: {  	v4 =	vld.idx.msk [tilespmem:v5+s12+$0x0], $0xffff;
	_ =	sdelay $0x1  }
0x130: {  	v5 =	vadd.s32 s25, v2;
	_ =	sdelay $0x3  }
0x131: {  	[tilespmem:s22+$0x50] =	vst v4  }
0x132: {  	v4 =	vld.idx.msk [tilespmem:v5+s12+$0x0], $0xffff;
	_ =	sdelay $0x1  }
0x133: {  	v5 =	vadd.s32 s25, v3;
	_ =	sdelay $0x2  }
.Ltmp6:
0x134: {  	(pc) =	sbr.rel @p0 .LBB2_9-.Ltmp6, $3  }
0x135: {  	[tilespmem:s22+$0x60] =	vst v4  }
0x136: {  	v4 =	vld.idx.msk [tilespmem:v5+s12+$0x0], $0xffff;
	_ =	sdelay $0x1  }
0x137: {  	s24 =	sadd.s32 $0x100, s24;
	v5 =	vadd.s32 s23, v0  }
0x138: {  	_ =	sdelay $0x2  }
0x139: {  	[tilespmem:s22+$0x70] =	vst v4  }
0x13a: {  	v4 =	vld.idx.msk [tilespmem:v5+s12+$0x0], $0xffff  }
0x13b: {  	v5 =	vadd.s32 s23, v1;
	_ =	sdelay $0x2  }
0x13c: {  	s26 =	sadd.s32 $0x100, s22  }
0x13d: {  	[tilespmem:s26+$0xFFFFFF80] =	vst v4  }
0x13e: {  	v4 =	vld.idx.msk [tilespmem:v5+s12+$0x0], $0xffff  }
0x13f: {  	v5 =	vadd.s32 s23, v2;
	_ =	sdelay $0x3  }
0x140: {  	[tilespmem:s26+$0xFFFFFF90] =	vst v4  }
0x141: {  	v4 =	vld.idx.msk [tilespmem:v5+s12+$0x0], $0xffff  }
0x142: {  	v5 =	vadd.s32 s23, v3;
	_ =	sdelay $0x3  }
0x143: {  	[tilespmem:s26+$0xFFFFFFA0] =	vst v4  }
0x144: {  	s24 =	sadd.s32 $0x40, s23;
	v4 =	vld.idx.msk [tilespmem:v5+s12+$0x0], $0xffff  }
0x145: {  	v5 =	vadd.s32 s24, v0;
	_ =	sdelay $0x3  }
0x146: {  	[tilespmem:s26+$0xFFFFFFB0] =	vst v4  }
0x147: {  	v4 =	vld.idx.msk [tilespmem:v5+s12+$0x0], $0xffff  }
0x148: {  	v5 =	vadd.s32 s24, v1;
	_ =	sdelay $0x3  }
0x149: {  	[tilespmem:s26+$0xFFFFFFC0] =	vst v4  }
0x14a: {  	v4 =	vld.idx.msk [tilespmem:v5+s12+$0x0], $0xffff  }
0x14b: {  	v5 =	vadd.s32 s24, v2;
	_ =	sdelay $0x3  }
0x14c: {  	[tilespmem:s26+$0xFFFFFFD0] =	vst v4  }
0x14d: {  	v4 =	vld.idx.msk [tilespmem:v5+s12+$0x0], $0xffff  }
0x14e: {  	v5 =	vadd.s32 s24, v3;
	_ =	sdelay $0x3  }
0x14f: {  	[tilespmem:s26+$0xFFFFFFE0] =	vst v4  }
0x150: {  	s28 =	sadd.s32 $0x80, s23;
	v4 =	vld.idx.msk [tilespmem:v5+s12+$0x0], $0xffff  }
0x151: {  	v5 =	vadd.s32 s28, v0;
	_ =	sdelay $0x3  }
0x152: {  	[tilespmem:s26+$0xFFFFFFF0] =	vst v4  }
0x153: {  	v4 =	vld.idx.msk [tilespmem:v5+s12+$0x0], $0xffff  }
0x154: {  	v5 =	vadd.s32 s28, v1;
	_ =	sdelay $0x3  }
0x155: {  	[tilespmem:s26+$0x0] =	vst v4  }
0x156: {  	v4 =	vld.idx.msk [tilespmem:v5+s12+$0x0], $0xffff  }
0x157: {  	v5 =	vadd.s32 s28, v2;
	_ =	sdelay $0x3  }
0x158: {  	[tilespmem:s26+$0x10] =	vst v4  }
0x159: {  	v4 =	vld.idx.msk [tilespmem:v5+s12+$0x0], $0xffff  }
0x15a: {  	v5 =	vadd.s32 s28, v3;
	_ =	sdelay $0x3  }
0x15b: {  	[tilespmem:s26+$0x20] =	vst v4  }
0x15c: {  	s29 =	sadd.s32 $0xC0, s23;
	v4 =	vld.idx.msk [tilespmem:v5+s12+$0x0], $0xffff  }
0x15d: {  	v5 =	vadd.s32 s29, v0;
	_ =	sdelay $0x3  }
0x15e: {  	[tilespmem:s26+$0x30] =	vst v4  }
0x15f: {  	v4 =	vld.idx.msk [tilespmem:v5+s12+$0x0], $0xffff  }
0x160: {  	v5 =	vadd.s32 s29, v1;
	_ =	sdelay $0x3  }
0x161: {  	[tilespmem:s26+$0x40] =	vst v4  }
0x162: {  	v4 =	vld.idx.msk [tilespmem:v5+s12+$0x0], $0xffff  }
0x163: {  	v5 =	vadd.s32 s29, v2;
	_ =	sdelay $0x3  }
0x164: {  	[tilespmem:s26+$0x50] =	vst v4  }
0x165: {  	v4 =	vld.idx.msk [tilespmem:v5+s12+$0x0], $0xffff  }
0x166: {  	v5 =	vadd.s32 s29, v3;
	_ =	sdelay $0x3  }
0x167: {  	[tilespmem:s26+$0x60] =	vst v4  }
0x168: {  	v4 =	vld.idx.msk [tilespmem:v5+s12+$0x0], $0xffff  }
0x169: {  	p0 =	seq.s32 s20, $0xF  }
.Ltmp7:
0x16a: {  	_ = 	snop;
	(pc) =	sbr.rel @p0 .LBB2_12-.Ltmp7, $4  }
0x16b: {  	_ = 	snop  }
0x16c: {  	s30 =	sadd.s32 s21, s6  }
0x16d: {  	s31 =	sadd.s32 $0x800, s30;
	[tilespmem:s26+$0x70] =	vst v4  }
0x16e: {  	[hbm4b:s31+s4] =	stream.linear.scatter [tilespmem:s17], [sflag:$0x4], $0x4000, $0x38;
	[tilespmem:$0x10080] =	vst v63  }
.Ltmp8:
0x16f: {  	(pc) =	sbr.rel .LBB2_2-.Ltmp8, $4  }
0x170: {  	_ = 	snop  }
0x171: {  	s21 =	sadd.s32 s1, s21  }
0x172: {  	s20 =	sadd.s32 $0x1, s20;
	s21 =	sadd.s32 $0x1800, s21  }
0x173: {  	[tilespmem:s12], [sflag:$0x2] =	stream.linear.gather [hbm4b:s21+s4], $0x4000, $0x38;
	[tilespmem:$0x10080] =	vst v63  }
.LBB2_13:
0x174: {  	_ =	sfence.sel $0x180000  }
0x175: {  	[bflag:$0x0] =	sbarrier.arrive $0xFFFF  }
0x176: {  	p0 =	sne.s32 s2, $0x0;
	_ =	strace $0x9000004A  }
0x177: {  	s0 =	sadd.s32 @!p0 $0x100000, s0;
	[bflag:$0x2] =	sbarrier.arrive $0xFFFF  }
0x178: {  	[sflag:s0] =	ssyncadd.tile.s32 @!p0 $0x1;
	_ =	shalt  }
.Lfunc_end2:
_tile_overlayer_lowered:
.L_overlay_start_2:
0x179: {  	(tag) =	ssettag $0x2  }
0x17a: {  	s0 =	rddreg [dreg:$0x0];
	s2 =	stileid.u32  }
0x17b: {  	s1 =	rddreg [dreg:$0x1];
	p0 =	sne.s32 s2, $0x0  }
0x17c: {  	s3 =	rddreg [dreg:$0x2];
	[bflag:$0x3] =	sbarrier.arrive $0xFFFF;
	s2 =	simm.s32 @!p0 $0x1C05  }
0x17d: {  	[timem:s3], [sflag:s2] =	dma.local @!p0 [hbm:s0], s1  }
0x17e: {  	s0 =	simm.s32 @!p0 $0x5  }
0x17f: {  	_ =	swait.ge @!p0 [sflag:s0], s1  }
0x180: {  	s1 =	ssub.s32 @!p0 $0x0, s1;
	[sflag:s0] =	ssyncset.done @!p0 $0x0  }
0x181: {  	[sflag:s0] =	ssyncadd.s32 @!p0 s1  }
0x182: {  	[bflag:$0x3] =	sbarrier.arrive $0xFFFF  }
0x183: {  	_ =	shalt  }

// kernel: sparse-core-data-format-call.cloned.1.call-start
scs
called_computation_lowered:
.L_overlay_start_0:
0x0: {  	s2 =	sld [smem:$0x3FD9]  }
0x1: {  	s3 =	sld [smem:$0x3FFE];
	_ =	sdelay $0x1  }
0x2: {  	s1 =	srdreg.scid  }
0x3: {  	s0 =	sand.u32 $0x1, s1  }
0x4: {  	s19 =	sshll.u32 s0, $0xA;
	s2 =	sadd.s32 s3, s2  }
0x5: {  	s2 =	sadd.s32 s2, s19  }
0x6: {  	[smem:$0x3FC6] =	sst s2  }
0x7: {  	_ = 	snop  }
0x8: {  	s2 =	sld [smem:$0x3FC9]  }
0x9: {  	s20 =	sld [smem:$0x3FD0];
	(tm) =	ssettm $0x1  }
0xa: {  	s4 =	sld [smem:$0x3FFB];
	_ =	sdelay $0x3  }
0xb: {  	_ =	strace s4  }
0xc: {  	s4 =	sld [smem:$0x3FFC];
	_ =	sdelay $0x3  }
0xd: {  	_ =	strace s4  }
0xe: {  	s4 =	sld [smem:$0x3FFD];
	_ =	sdelay $0x3  }
0xf: {  	_ =	strace s4  }
0x10: {  	_ =	strace $0x8FFFFFFF  }
0x11: {  	s21 =	sld [smem:$0x3FDB];
	_ =	sdelay $0x1  }
0x12: {  	s5 =	simm.s32 $_scs_section_size  }
0x13: {  	s6 =	simm.s32 $_size__tile_overlayer_lowered;
	s7 =	simm.s32 $_tile_overlayer_lowered  }
0x14: {  	s24 =	simm.s32 $0x1BFF;
	s23 =	sshll.u32 s7, $0x1;
	s4 =	sadd.s32 s5, s21  }
0x15: {  	s8 =	simm.s32 $0x0;
	s22 =	sshll.u32 s6, $0x1;
	s6 =	sadd.s32 s23, s4  }
0x16: {  	[timem:s8], [sflag:s24] =	dma.local [hbm:s6], s22  }
0x17: {  	_ =	swait.ge [sflag:s24], s22  }
0x18: {  	s5 =	ssub.s32 $0x0, s22;
	[sflag:s24] =	ssyncset.done $0x0  }
0x19: {  	[sflag:s24] =	ssyncadd.s32 s5;
	_ =	sdelay $0x1  }
0x1a: {  	s25 =	simm.s32 $0x1B8B  }
0x1b: {  	_ =	swait.ge [sflag:s25], $0x1  }
0x1c: {  	[sflag:s25] =	ssyncset.done $0x0  }
0x1d: {  	s26 =	simm.s32 $0x1B8E;
	[sflag:s25] =	ssyncadd.s32 $0xFFFFFFFF  }
0x1e: {  	s27 =	simm.s32 $execute0_lowered;
	[smem:$0x3FD2] =	sst s26  }
0x1f: {  	s5 =	sshll.u32 s27, $0x1;
	_ =	strace $0x80000046;
	[dreg:$0x1] =	wrdreg $0xFFFFFFFF  }
0x20: {  	s28 =	simm.s32 $_size_execute0_lowered;
	s4 =	sadd.s32 s4, s5;
	[dreg:$0x0] =	wrdreg $0x0  }
0x21: {  	s5 =	sshll.u32 s28, $0x1;
	[dreg:$0x2] =	wrdreg s4  }
0x22: {  	[dreg:$0x3] =	wrdreg s5  }
0x23: {  	[dreg:$0x4] =	wrdreg $0xC0  }
0x24: {  	_ =	task [dreg:s8], $0x5FFFF  }
0x25: {  	[dreg:$0x1] =	wrdreg $0xFFFFFFFF  }
0x26: {  	[dreg:$0x0] =	wrdreg $0x60  }
0x27: {  	[dreg:$0x2] =	wrdreg s2  }
0x28: {  	[dreg:$0x3] =	wrdreg s20  }
0x29: {  	[dreg:$0x4] =	wrdreg $0x9  }
0x2a: {  	_ =	task.clear_ibuf [dreg:s8], $0x5FFFF;
	_ =	strace $0x90000046  }
0x2b: {  	s29 =	simm.s32 $0x9;
	_ =	strace $0x80000048  }
0x2c: {  	_ =	swait.ge [sflag:s29], $0x1  }
0x2d: {  	[sflag:s29] =	ssyncadd.s32 $0xFFFFFFFF  }
0x2e: {  	_ =	strace $0x90000048  }
0x2f: {  	_ =	sfence  }
0x30: {  	s30 =	sld [smem:$0x0];
	_ =	sdelay $0x2  }
0x31: {  	s31 =	sshll.u32 s1, $0xD;
	s1 =	sshrl.u32 s1, $0x2  }
0x32: {  	s3 =	sand.u32 $0x4000, s31;
	s1 =	sadd.s32 s1, s30  }
0x33: {  	s0 =	sor.u32 s3, s0;
	s1 =	sshll.u32 s1, $0x11  }
0x34: {  	s0 =	sor.u32 s1, s0  }
0x35: {  	s0 =	sadd.s32 $0x8F2B, s0  }
0x36: {  	[sflag:s0] =	ssyncadd.remote.s32 $0x1  }
0x37: {  	_ =	sfence.sel $0xFFFF  }
0x38: {  	[dreg:$0x0] =	wrdreg $0xFFFFFFFF;
	(pc) =	sbr.abs _section_cstart, $3  }
0x39: {  	[dreg:$0x1] =	wrdreg $0xFFFFFFFF  }
0x3a: {  	_ =	task.clear_ibuf [dreg:s8], $0x2FFFF;
	_ =	strace $0x9FFFFFFF  }
0x3b: {  	(tm) =	ssettm $0x7FFFFFFF  }
tec
execute0_lowered:
.L_overlay_start_1:
0x0: {  	(tag) =	ssettag $0x1  }
0x1: {  	s2 =	rddreg [dreg:$0x0]  }
0x2: {  	s3 =	rddreg [dreg:$0x1]  }
0x3: {  	s0 =	rddreg [dreg:$0x2];
	s4 =	srdreg.scid  }
.Ltmp0:
0x4: {  	_ =	strace $0x80000047;
	s1 =	stileid.u32;
	(pc) =	sbr.rel .LBB1_1-.Ltmp0, $4  }
0x5: {  	s6 =	simm.s32 $0x2;
	p0 =	por $0x0, $0x0;
	s5 =	sshll.u32 s4, $0x4  }
0x6: {  	s9 =	simm.s32 $0x0;
	s4 =	simm.s32 $0x1;
	s5 =	sand.u32 $0x10, s5  }
0x7: {  	s7 =	simm.s32 $0x0;
	[sflag:s4] =	ssyncpa.u1 $0x0;
	s5 =	sor.u32 s1, s5  }
0x8: {  	[sflag:s6] =	ssyncpa.u1 $0x0;
	s6 =	simm.s32 $0x0;
	s8 =	smov.u32 s5  }
.LBB1_7:
0x9: {  	s11 =	sadd.s32 $0x20, s8  }
0xa: {  	p1 =	slt.u32 s7, $0x2;
	s7 =	sadd.s32 $0x1, s7;
	p2 =	sgt.s32 s11, $0x3FF  }
0xb: {  	s11 =	smov.u32 @p2 s5;
	p2 =	sne.s32 s7, $0x22  }
.Ltmp1:
0xc: {  	_ = 	snop;
	(pc) =	sbr.rel @!p2 .LBB1_8-.Ltmp1, $4  }
0xd: {  	s10 =	simm.s32 @!p1 $0x2  }
0xe: {  	_ =	swait.ge @!p1 [sflag:s10], $0x4000  }
0xf: {  	s9 =	smov.u32 s8;
	[sflag:s10] =	ssyncset.done @!p1 $0x0  }
0x10: {  	p0 =	por !p0, !p0;
	s8 =	smov.u32 s11;
	[sflag:s10] =	ssyncadd.s32 @!p1 $0xFFFFC000  }
.LBB1_1:
0x11: {  	p1 =	sgt.u32 s7, $0x1F  }
0x12: {  	s10 =	sxor.u32 @!p1 $0xFFFFFFFF, s7  }
0x13: {  	s11 =	sshll.u32 @!p1 s8, $0xB;
	s10 =	sshll.u32 @!p1 s10, $0xE  }
0x14: {  	s12 =	simm.s32 @!p1 $0x0;
	s11 =	sadd.s32 @!p1 s2, s11;
	s10 =	sand.u32 @!p1 $0x4000, s10  }
0x15: {  	[tilespmem:s10], [sflag:$0x1] =	stream.linear.gather @!p1 [hbm4b:s11+s12], $0x4000, $0x38;
	[tilespmem:$0x10000] =	vst v63  }
0x16: {  	p1 =	seq.s32 s7, $0x0  }
0x17: {  	p2 =	seq.s32 @!p1 s7, $0x21  }
0x18: {  	p1 =	por p1, p2  }
.Ltmp2:
0x19: {  	_ = 	snop;
	(pc) =	sbr.rel @p1 .LBB1_7-.Ltmp2, $1  }
0x1a: {  	_ =	sdelay $0x3  }
0x1b: {  	s10 =	simm.s32 $0x1;
	_ =	swait.ge [sflag:s4], $0x4000;
	s12 =	sshll.u32 s7, $0xE  }
0x1c: {  	s13 =	simm.s32 $0x0;
	s10 =	simm.s32 @!p0 $0x0;
	[sflag:s4] =	ssyncset.done $0x0  }
0x1d: {  	s12 =	sand.u32 $0x4000, s12;
	s11 =	sshll.u32 s10, $0xE;
	[sflag:s4] =	ssyncadd.s32 $0xFFFFC000  }
0x1e: {  	s12 =	sor.u32 $0x8000, s12;
	s10 =	sor.u32 $0x8040, s11;
	s11 =	sor.u32 $0x40, s11  }
.LBB1_3:
0x1f: {  	v0 =	vmov s11;
	_ =	sdelay $0x3  }
0x20: {  	s15 =	simm.s32 $0x0  }
0x21: {  	v6 =	vld.idx.msk [tilespmem:v0+s15+$0x30 ss:$0x1], $0xffff  }
0x22: {  	v7 =	vld.idx.msk [tilespmem:v0+s15+$0xFFFFFFC0 ss:$0x1], $0xffff  }
0x23: {  	v5 =	vld.idx.msk [tilespmem:v0+s15+$0xFFFFFFD0 ss:$0x1], $0xffff  }
0x24: {  	v4 =	vld.idx.msk [tilespmem:v0+s15+$0xFFFFFFE0 ss:$0x1], $0xffff  }
0x25: {  	v3 =	vld.idx.msk [tilespmem:v0+s15+$0xFFFFFFF0 ss:$0x1], $0xffff  }
0x26: {  	v1 =	vld.idx.msk [tilespmem:v0+s15+$0x0 ss:$0x1], $0xffff  }
0x27: {  	v2 =	vld.idx.msk [tilespmem:v0+s15+$0x10 ss:$0x1], $0xffff;
	[tilespmem:s10+$0x30] =	vst v6  }
0x28: {  	s14 =	simm.s32 $0x80;
	s16 =	simm.s32 $0x400;
	[tilespmem:s10+$0xFFFFFFC0] =	vst v7;
	v6 =	vld.idx.msk [tilespmem:v0+s15+$0x20 ss:$0x1], $0xffff;
	s15 =	smov.u32 s10  }
.LBB1_4:
0x29: {  	p1 =	sne.s32 s16, $0xE00;
	v7 =	vld.idx.msk [tilespmem:v0+s14+$0x30 ss:$0x1], $0xffff;
	[tilespmem:s15+$0xFFFFFFD0] =	vst v5  }
0x2a: {  	v8 =	vld.idx.msk [tilespmem:v0+s14+$0xFFFFFFC0 ss:$0x1], $0xffff;
	[tilespmem:s15+$0xFFFFFFE0] =	vst v4  }
0x2b: {  	v5 =	vld.idx.msk [tilespmem:v0+s14+$0xFFFFFFD0 ss:$0x1], $0xffff;
	[tilespmem:s15+$0xFFFFFFF0] =	vst v3  }
.Ltmp3:
0x2c: {  	v4 =	vld.idx.msk [tilespmem:v0+s14+$0xFFFFFFE0 ss:$0x1], $0xffff;
	[tilespmem:s15+$0x0] =	vst v1;
	(pc) =	sbr.rel @p1 .LBB1_4-.Ltmp3, $4  }
0x2d: {  	v3 =	vld.idx.msk [tilespmem:v0+s14+$0xFFFFFFF0 ss:$0x1], $0xffff;
	[tilespmem:s15+$0x10] =	vst v2  }
0x2e: {  	v1 =	vld.idx.msk [tilespmem:v0+s14+$0x0 ss:$0x1], $0xffff;
	[tilespmem:s15+$0x20] =	vst v6;
	s15 =	sadd.s32 $0x800, s15  }
0x2f: {  	v2 =	vld.idx.msk [tilespmem:v0+s14+$0x10 ss:$0x1], $0xffff;
	[tilespmem:s15+$0x30] =	vst v7  }
0x30: {  	[tilespmem:s15+$0xFFFFFFC0] =	vst v8;
	v6 =	vld.idx.msk [tilespmem:v0+s14+$0x20 ss:$0x1], $0xffff;
	s14 =	sshra.s32 s16, $0x2;
	s16 =	sadd.s32 $0x200, s16  }
0x31: {  	_ =	sdelay $0x2  }
0x32: {  	[tilespmem:s15+$0xFFFFFFD0] =	vst v5  }
0x33: {  	v56 =	vld.idx.msk [tilespmem:v0+s14+$0x30 ss:$0x1], $0xffff;
	[tilespmem:s15+$0xFFFFFFE0] =	vst v4  }
0x34: {  	v57 =	vld.idx.msk [tilespmem:v0+s14+$0xFFFFFFC0 ss:$0x1], $0xffff;
	[tilespmem:s15+$0xFFFFFFF0] =	vst v3  }
0x35: {  	v58 =	vld.idx.msk [tilespmem:v0+s14+$0xFFFFFFD0 ss:$0x1], $0xffff;
	[tilespmem:s15+$0x0] =	vst v1  }
0x36: {  	v59 =	vld.idx.msk [tilespmem:v0+s14+$0xFFFFFFE0 ss:$0x1], $0xffff;
	[tilespmem:s15+$0x10] =	vst v2  }
0x37: {  	v60 =	vld.idx.msk [tilespmem:v0+s14+$0xFFFFFFF0 ss:$0x1], $0xffff;
	s31 =	sadd.s32 $0x800, s15;
	[tilespmem:s15+$0x20] =	vst v6  }
0x38: {  	v61 =	vld.idx.msk [tilespmem:v0+s14+$0x0 ss:$0x1], $0xffff;
	[tilespmem:s31+$0x30] =	vst v56  }
0x39: {  	v62 =	vld.idx.msk [tilespmem:v0+s14+$0x10 ss:$0x1], $0xffff;
	s13 =	sadd.s32 $0x1, s13;
	[tilespmem:s31+$0xFFFFFFC0] =	vst v57  }
0x3a: {  	v63 =	vld.idx.msk [tilespmem:v0+s14+$0x20 ss:$0x1], $0xffff;
	p1 =	sne.s32 s13, $0x10;
	[tilespmem:s31+$0xFFFFFFD0] =	vst v58  }
.Ltmp4:
0x3b: {  	[tilespmem:s31+$0xFFFFFFE0] =	vst v59;
	(pc) =	sbr.rel @p1 .LBB1_3-.Ltmp4, $4  }
0x3c: {  	[tilespmem:s31+$0xFFFFFFF0] =	vst v60  }
0x3d: {  	[tilespmem:s31+$0x0] =	vst v61  }
0x3e: {  	[tilespmem:s31+$0x10] =	vst v62  }
0x3f: {  	s10 =	sadd.s32 $0x80, s10;
	s11 =	sadd.s32 $0x400, s11;
	[tilespmem:s31+$0x20] =	vst v63  }
.Ltmp5:
0x40: {  	(pc) =	sbr.rel .LBB1_7-.Ltmp5, $4  }
0x41: {  	_ = 	snop  }
0x42: {  	s9 =	sshll.u32 s9, $0xB  }
0x43: {  	s9 =	sadd.s32 s3, s9  }
0x44: {  	[hbm4b:s9+s6] =	stream.linear.scatter [tilespmem:s12], [sflag:$0x2], $0x4000, $0x38;
	[tilespmem:$0x10000] =	vst v63  }
.LBB1_8:
0x45: {  	_ =	sfence.sel $0x180000  }
0x46: {  	s2 =	simm.s32 $0x1;
	[bflag:$0x0] =	sbarrier.arrive $0xFFFF  }
0x47: {  	s31 =	simm.s32 $0x2;
	[sflag:s2] =	ssyncpa.u1 $0x1  }
0x48: {  	[sflag:s31] =	ssyncpa.u1 $0x1  }
0x49: {  	p0 =	sne.s32 s1, $0x0;
	_ =	strace $0x90000047  }
0x4a: {  	s0 =	sadd.s32 @!p0 $0x100000, s0;
	[bflag:$0x2] =	sbarrier.arrive $0xFFFF  }
0x4b: {  	[sflag:s0] =	ssyncadd.tile.s32 @!p0 $0x1;
	_ =	shalt  }
.Lfunc_end1:
_tile_overlayer_lowered:
.L_overlay_start_2:
0x4c: {  	(tag) =	ssettag $0x2  }
0x4d: {  	s0 =	rddreg [dreg:$0x0];
	s2 =	stileid.u32  }
0x4e: {  	s1 =	rddreg [dreg:$0x1];
	p0 =	sne.s32 s2, $0x0  }
0x4f: {  	s3 =	rddreg [dreg:$0x2];
	[bflag:$0x3] =	sbarrier.arrive $0xFFFF;
	s2 =	simm.s32 @!p0 $0x1C01  }
0x50: {  	[timem:s3], [sflag:s2] =	dma.local @!p0 [hbm:s0], s1  }
0x51: {  	s0 =	simm.s32 @!p0 $0x1  }
0x52: {  	_ =	swait.ge @!p0 [sflag:s0], s1  }
0x53: {  	s1 =	ssub.s32 @!p0 $0x0, s1;
	[sflag:s0] =	ssyncset.done @!p0 $0x0  }
0x54: {  	[sflag:s0] =	ssyncadd.s32 @!p0 s1  }
0x55: {  	[bflag:$0x3] =	sbarrier.arrive $0xFFFF  }
0x56: {  	_ =	shalt  }

</sc_bundles>
